<compile_context>
chip_gen: v7x
topology: tpu7x:2x2x1
jax: 0.10.2.dev20260603
libtpu: 0.0.44.dev20260713+nightly
codegen_flags: <defaults>
</compile_context>

<pallas_src>
import jax
import jax.numpy as jnp
from jax import lax
from jax.experimental import pallas as pl
from jax.experimental.pallas import tpu as pltpu
from jax.experimental.pallas import tpu_sc as plsc

PAD = 1
EPS = 1e-12
H = 64
SEQ = 64
NROWS = 1024
NTOK = NROWS * SEQ
IDXW = 128
NW = 32
PER_W = NTOK // NW
NIDX = PER_W // IDXW
CH = 512
NJ = CH // IDXW
NCHUNK = PER_W // CH


def _sc_gather_body(table2_hbm, idx_hbm, out_hbm, idx_v, rows_v, sem):
    nc = plsc.get_sparse_core_info().num_cores
    wid = lax.axis_index("s") * nc + lax.axis_index("c")
    pltpu.sync_copy(idx_hbm.at[pl.ds(wid * NIDX, NIDX)], idx_v)
    for h in range(NCHUNK):
        copies = [
            pltpu.async_copy(
                table2_hbm.at[idx_v.at[h * NJ + j]],
                rows_v.at[pl.ds(j * IDXW, IDXW)],
                sem,
            )
            for j in range(NJ)
        ]
        for c in copies:
            c.wait()
        pltpu.sync_copy(rows_v, out_hbm.at[pl.ds(wid * PER_W + h * CH, CH)])


def _sc_gather(table2, pair_idx):
    mesh = plsc.VectorSubcoreMesh(core_axis_name="c", subcore_axis_name="s")
    k = pl.kernel(
        _sc_gather_body,
        out_type=jax.ShapeDtypeStruct((NTOK, 128), jnp.float32),
        mesh=mesh,
        scratch_types=[
            pltpu.VMEM((NIDX, IDXW), jnp.int32),
            pltpu.VMEM((CH, 128), jnp.float32),
            pltpu.SemaphoreType.DMA,
        ],
        compiler_params=pltpu.CompilerParams(use_tc_tiling_on_sc=True),
    )
    return k(table2, pair_idx)


BLK = 128


def _tc_body(ids_ref, pairs_ref, pos_ref, turn_ref, gamma_ref, beta_ref, out_ref):
    ids = ids_ref[...]
    pairs3 = pairs_ref[...].reshape(BLK, SEQ, 128)

    words3 = pairs3[:, :, :H]

    maskf = (ids != PAD).astype(jnp.float32)

    ki = lax.broadcasted_iota(jnp.int32, (SEQ, SEQ), 0)
    ji = lax.broadcasted_iota(jnp.int32, (SEQ, SEQ), 1)
    tri = (ki <= ji).astype(jnp.float32)
    inc = jax.lax.dot(maskf, tri)
    pos_idi = (inc * maskf).astype(jnp.int32) + 1

    pcol = lax.broadcasted_iota(jnp.int32, (BLK, SEQ, 128), 2)
    oh = (pos_idi[:, :, None] == pcol).astype(jnp.float32)
    pos_emb = jax.lax.dot(
        oh.reshape(BLK * SEQ, 128), pos_ref[...],
    )

    x3 = words3 + pos_emb.reshape(BLK, SEQ, H)

    rcol = lax.broadcasted_iota(jnp.int32, (BLK, 32), 0) % 16
    tcol = lax.broadcasted_iota(jnp.int32, (BLK, 32), 1)
    oh_t = (rcol == tcol).astype(jnp.float32)
    turn_emb = jax.lax.dot(oh_t, turn_ref[...])
    seq1 = (lax.broadcasted_iota(jnp.int32, (BLK, SEQ, H), 1) == 1).astype(
        jnp.float32)
    x3 = x3 + turn_emb[:, None, :] * seq1

    mean = jnp.mean(x3, axis=-1, keepdims=True)
    d = x3 - mean
    var = jnp.mean(d * d, axis=-1, keepdims=True)
    y = d * lax.rsqrt(var + EPS)
    y = y * gamma_ref[...][None, :, :] + beta_ref[...][None, :, :]
    out_ref[...] = y


def _tc_finish(ids, pairs, pos_table, turn_table, gamma, beta):
    grid = (NROWS // BLK,)
    return pl.pallas_call(
        _tc_body,
        grid=grid,
        in_specs=[
            pl.BlockSpec((BLK, SEQ), lambda i: (i, 0)),
            pl.BlockSpec((BLK * SEQ, 128), lambda i: (i, 0)),
            pl.BlockSpec((128, H), lambda i: (0, 0)),
            pl.BlockSpec((32, H), lambda i: (0, 0)),
            pl.BlockSpec((1, H), lambda i: (0, 0)),
            pl.BlockSpec((1, H), lambda i: (0, 0)),
        ],
        out_specs=pl.BlockSpec((BLK, SEQ, H), lambda i: (i, 0, 0)),
        out_shape=jax.ShapeDtypeStruct((NROWS, SEQ, H), jnp.float32),
    )(ids, pairs, pos_table, turn_table, gamma, beta)


def kernel(input_ids, max_dia_len, word_table, pos_table, turn_table, gamma, beta):
    del max_dia_len
    table2 = jnp.pad(word_table, ((0, 0), (0, 64)))
    idx2d = input_ids.reshape(NTOK // IDXW, IDXW)
    pairs = _sc_gather(table2, idx2d)
    return _tc_finish(
        input_ids,
        pairs,
        pos_table,
        turn_table,
        gamma.reshape(1, H),
        beta.reshape(1, H),
    )

# --- scband reference (transcript-rebuilt; emitter-appended) ---
"""Pipeline reference for scband-hssaembeddings-23484881175176 (READ-ONLY COPY).

The authoritative reference and input builder live on the scoring server;
editing this copy changes nothing except your own understanding.
"""

import jax, jax.numpy as jnp
import numpy as np

VOCAB = 1000000
HIDDEN = 64
MAX_POS = 128
MAX_UT = 32
PAD = 1
EPS = 1e-12


def setup_inputs(seed: int = 0) -> dict:
    key = jax.random.key(seed)
    k1, k2, k3, k4, k5, k6 = jax.random.split(key, 6)
    input_ids = jax.random.randint(k1, (1024, 64), 0, VOCAB)
    word_table = jax.random.normal(k2, (VOCAB, HIDDEN), dtype=jnp.float32) * 0.02
    word_table = word_table.at[PAD].set(0.0)  # nn.Embedding padding_idx row zeroed
    pos_table = jax.random.normal(k3, (MAX_POS, HIDDEN), dtype=jnp.float32) * 0.02
    pos_table = pos_table.at[PAD].set(0.0)
    turn_table = jax.random.normal(k4, (MAX_UT, HIDDEN), dtype=jnp.float32) * 0.02
    turn_table = turn_table.at[PAD].set(0.0)
    gamma = 1.0 + 0.02 * jax.random.normal(k5, (HIDDEN,), dtype=jnp.float32)
    beta = 0.02 * jax.random.normal(k6, (HIDDEN,), dtype=jnp.float32)
    return {
        'input_ids': input_ids,
        'max_dia_len': 16,
        'word_table': word_table,
        'pos_table': pos_table,
        'turn_table': turn_table,
        'gamma': gamma,
        'beta': beta,
    }


def reference(input_ids, max_dia_len, word_table, pos_table, turn_table, gamma, beta):
    # create_position_ids_from_input_ids
    mask = (input_ids != PAD).astype(jnp.int32)
    incremental = jnp.cumsum(mask, axis=1).astype(jnp.int32) * mask
    position_ids = incremental.astype(jnp.int32) + PAD

    seq_length = input_ids.shape[1]
    inputs_embeds = jnp.take(word_table, input_ids, axis=0)
    position_embeddings = jnp.take(pos_table, position_ids, axis=0)
    embeddings = inputs_embeds + position_embeddings

    # turn embeddings (max_ut_embeddings is not None)
    dia_len = 16
    B = input_ids.shape[0] // dia_len
    turn_ids = jnp.arange(MAX_UT)[:dia_len] + 0 * max_dia_len
    turn_embeddings = jnp.take(turn_table, turn_ids, axis=0)[None, :, :]
    embeddings = embeddings.reshape(B, dia_len, seq_length, HIDDEN)
    embeddings = embeddings.at[:, :, 1, :].add(turn_embeddings)
    embeddings = embeddings.reshape(-1, seq_length, HIDDEN)

    # LayerNorm
    mean = jnp.mean(embeddings, axis=-1, keepdims=True)
    var = jnp.mean((embeddings - mean) ** 2, axis=-1, keepdims=True)
    out = (embeddings - mean) / jnp.sqrt(var + EPS) * gamma + beta
    # dropout is identity in eval / p=0.0
    return out

if __name__ == "__main__":
    import jax
    _d = setup_inputs()
    print(jax.jit(kernel)(*tuple(_d.values())))

</pallas_src>

<mosaic_0001>
#map = affine_map<(d0, d1) -> (0, 0)>
module attributes {stable_mosaic.version = 14 : i64} {
  func.func @_sc_gather_body(%arg0: i32, %arg1: i32, %arg2: memref<1000000x128xf32, #tpu.memory_space<hbm>>, %arg3: memref<512x128xi32, #tpu.memory_space<hbm>>, %arg4: memref<65536x128xf32, #tpu.memory_space<hbm>>, %arg5: memref<16x128xi32, #tpu.memory_space<vmem>>, %arg6: memref<512x128xf32, #tpu.memory_space<vmem>>, %arg7: memref<!tpu.dma_semaphore, #tpu.memory_space<semaphore_mem>>) attributes {dimension_semantics = [#tpu.dimension_semantics<core_parallel>, #tpu.dimension_semantics<subcore_parallel>], iteration_bounds = array<i64: 2, 16>, scalar_prefetch = 0 : i64, scratch_operands = 3 : i64, tpu.core_type = #tpu.core_type<sc_vector_subcore>, window_params = [{transform_indices = #map}, {transform_indices = #map}, {transform_indices = #map}]} {
    %mul3A = arith.constant 2 : i32
    %mul3A_0 = arith.muli %arg1, %mul3A : i32
    %add3A = arith.addi %mul3A_0, %arg0 : i32
    %mul3A_1 = arith.constant 16 : i32
    %mul3A_2 = arith.muli %add3A, %mul3A_1 : i32
    "tpu.region"() ({
      %run_scoped3A = tpu.sem_alloc : memref<!tpu.dma_semaphore, #tpu.memory_space<semaphore_mem>>
      %dma_start3A_337 = arith.constant 0 : i32
      %dma_start3A_338 = tpu.memref_slice %arg3[%mul3A_2, %dma_start3A_337] : memref<512x128xi32, #tpu.memory_space<hbm>> -> memref<16x128xi32, #tpu.memory_space<hbm>>
      %dma_start3A_339 = arith.constant 0 : i32
      %dma_start3A_340 = tpu.memref_slice %arg3[%mul3A_2, %dma_start3A_339] : memref<512x128xi32, #tpu.memory_space<hbm>> -> memref<16x128xi32, #tpu.memory_space<hbm>>
      tpu.enqueue_dma source(%dma_start3A_340 : memref<16x128xi32, #tpu.memory_space<hbm>>) target(%arg5 : memref<16x128xi32, #tpu.memory_space<vmem>>) target_semaphore(%run_scoped3A : memref<!tpu.dma_semaphore, #tpu.memory_space<semaphore_mem>>)
      %dma_wait3A_341 = arith.constant 0 : i32
      %dma_wait3A_342 = tpu.memref_slice %arg3[%mul3A_2, %dma_wait3A_341] : memref<512x128xi32, #tpu.memory_space<hbm>> -> memref<16x128xi32, #tpu.memory_space<hbm>>
      %dma_wait3A_343 = arith.constant 0 : i32
      %dma_wait3A_344 = tpu.memref_slice %arg3[%mul3A_2, %dma_wait3A_343] : memref<512x128xi32, #tpu.memory_space<hbm>> -> memref<16x128xi32, #tpu.memory_space<hbm>>
      tpu.wait_dma2 semaphore(%run_scoped3A : memref<!tpu.dma_semaphore, #tpu.memory_space<semaphore_mem>>) src(%dma_wait3A_344 : memref<16x128xi32, #tpu.memory_space<hbm>>) dst(%arg5 : memref<16x128xi32, #tpu.memory_space<vmem>>)
      tpu.yield
    }) : () -> ()
    %dma_start3A = arith.constant 0 : i32
    %dma_start3A_3 = arith.constant 0 : i32
    %dma_start3A_4 = arith.constant 0 : i32
    %dma_start3A_5 = tpu.memref_slice %arg6[%dma_start3A_3, %dma_start3A_4] : memref<512x128xf32, #tpu.memory_space<vmem>> -> memref<128x128xf32, #tpu.memory_space<vmem>>
    %dma_start3A_6 = arith.constant 0 : i32
    %dma_start3A_7 = tpu.memref_slice %arg5[%dma_start3A, %dma_start3A_6] : memref<16x128xi32, #tpu.memory_space<vmem>> -> memref<1x128xi32, #tpu.memory_space<vmem>>
    %dma_start3A_8 = tpu.memref_squeeze %dma_start3A_7 : memref<1x128xi32, #tpu.memory_space<vmem>> -> memref<128xi32, #tpu.memory_space<vmem>>
    %dma_start3A_9 = arith.constant 0 : i32
    %dma_start3A_10 = arith.constant 0 : i32
    %dma_start3A_11 = tpu.memref_slice %arg2[%dma_start3A_9, %dma_start3A_10] : memref<1000000x128xf32, #tpu.memory_space<hbm>> -> memref<1000000x128xf32, #tpu.memory_space<hbm>>
    tpu.enqueue_indirect_dma source(%dma_start3A_11 : memref<1000000x128xf32, #tpu.memory_space<hbm>>) target(%dma_start3A_5 : memref<128x128xf32, #tpu.memory_space<vmem>>) offsets(%dma_start3A_8 : memref<128xi32, #tpu.memory_space<vmem>>) semaphore(%arg7 : memref<!tpu.dma_semaphore, #tpu.memory_space<semaphore_mem>>)
    %dma_start3A_12 = arith.constant 1 : i32
    %dma_start3A_13 = arith.constant 128 : i32
    %dma_start3A_14 = arith.constant 0 : i32
    %dma_start3A_15 = tpu.memref_slice %arg6[%dma_start3A_13, %dma_start3A_14] : memref<512x128xf32, #tpu.memory_space<vmem>> -> memref<128x128xf32, #tpu.memory_space<vmem>>
    %dma_start3A_16 = arith.constant 0 : i32
    %dma_start3A_17 = tpu.memref_slice %arg5[%dma_start3A_12, %dma_start3A_16] : memref<16x128xi32, #tpu.memory_space<vmem>> -> memref<1x128xi32, #tpu.memory_space<vmem>>
    %dma_start3A_18 = tpu.memref_squeeze %dma_start3A_17 : memref<1x128xi32, #tpu.memory_space<vmem>> -> memref<128xi32, #tpu.memory_space<vmem>>
    %dma_start3A_19 = arith.constant 0 : i32
    %dma_start3A_20 = arith.constant 0 : i32
    %dma_start3A_21 = tpu.memref_slice %arg2[%dma_start3A_19, %dma_start3A_20] : memref<1000000x128xf32, #tpu.memory_space<hbm>> -> memref<1000000x128xf32, #tpu.memory_space<hbm>>
    tpu.enqueue_indirect_dma source(%dma_start3A_21 : memref<1000000x128xf32, #tpu.memory_space<hbm>>) target(%dma_start3A_15 : memref<128x128xf32, #tpu.memory_space<vmem>>) offsets(%dma_start3A_18 : memref<128xi32, #tpu.memory_space<vmem>>) semaphore(%arg7 : memref<!tpu.dma_semaphore, #tpu.memory_space<semaphore_mem>>)
    %dma_start3A_22 = arith.constant 2 : i32
    %dma_start3A_23 = arith.constant 256 : i32
    %dma_start3A_24 = arith.constant 0 : i32
    %dma_start3A_25 = tpu.memref_slice %arg6[%dma_start3A_23, %dma_start3A_24] : memref<512x128xf32, #tpu.memory_space<vmem>> -> memref<128x128xf32, #tpu.memory_space<vmem>>
    %dma_start3A_26 = arith.constant 0 : i32
    %dma_start3A_27 = tpu.memref_slice %arg5[%dma_start3A_22, %dma_start3A_26] : memref<16x128xi32, #tpu.memory_space<vmem>> -> memref<1x128xi32, #tpu.memory_space<vmem>>
    %dma_start3A_28 = tpu.memref_squeeze %dma_start3A_27 : memref<1x128xi32, #tpu.memory_space<vmem>> -> memref<128xi32, #tpu.memory_space<vmem>>
    %dma_start3A_29 = arith.constant 0 : i32
    %dma_start3A_30 = arith.constant 0 : i32
    %dma_start3A_31 = tpu.memref_slice %arg2[%dma_start3A_29, %dma_start3A_30] : memref<1000000x128xf32, #tpu.memory_space<hbm>> -> memref<1000000x128xf32, #tpu.memory_space<hbm>>
    tpu.enqueue_indirect_dma source(%dma_start3A_31 : memref<1000000x128xf32, #tpu.memory_space<hbm>>) target(%dma_start3A_25 : memref<128x128xf32, #tpu.memory_space<vmem>>) offsets(%dma_start3A_28 : memref<128xi32, #tpu.memory_space<vmem>>) semaphore(%arg7 : memref<!tpu.dma_semaphore, #tpu.memory_space<semaphore_mem>>)
    %dma_start3A_32 = arith.constant 3 : i32
    %dma_start3A_33 = arith.constant 384 : i32
    %dma_start3A_34 = arith.constant 0 : i32
    %dma_start3A_35 = tpu.memref_slice %arg6[%dma_start3A_33, %dma_start3A_34] : memref<512x128xf32, #tpu.memory_space<vmem>> -> memref<128x128xf32, #tpu.memory_space<vmem>>
    %dma_start3A_36 = arith.constant 0 : i32
    %dma_start3A_37 = tpu.memref_slice %arg5[%dma_start3A_32, %dma_start3A_36] : memref<16x128xi32, #tpu.memory_space<vmem>> -> memref<1x128xi32, #tpu.memory_space<vmem>>
    %dma_start3A_38 = tpu.memref_squeeze %dma_start3A_37 : memref<1x128xi32, #tpu.memory_space<vmem>> -> memref<128xi32, #tpu.memory_space<vmem>>
    %dma_start3A_39 = arith.constant 0 : i32
    %dma_start3A_40 = arith.constant 0 : i32
    %dma_start3A_41 = tpu.memref_slice %arg2[%dma_start3A_39, %dma_start3A_40] : memref<1000000x128xf32, #tpu.memory_space<hbm>> -> memref<1000000x128xf32, #tpu.memory_space<hbm>>
    tpu.enqueue_indirect_dma source(%dma_start3A_41 : memref<1000000x128xf32, #tpu.memory_space<hbm>>) target(%dma_start3A_35 : memref<128x128xf32, #tpu.memory_space<vmem>>) offsets(%dma_start3A_38 : memref<128xi32, #tpu.memory_space<vmem>>) semaphore(%arg7 : memref<!tpu.dma_semaphore, #tpu.memory_space<semaphore_mem>>)
    %dma_wait3A = arith.constant 0 : i32
    %dma_wait3A_42 = arith.constant 0 : i32
    %dma_wait3A_43 = arith.constant 0 : i32
    %dma_wait3A_44 = tpu.memref_slice %arg6[%dma_wait3A_42, %dma_wait3A_43] : memref<512x128xf32, #tpu.memory_space<vmem>> -> memref<128x128xf32, #tpu.memory_space<vmem>>
    %dma_wait3A_45 = arith.constant 0 : i32
    %dma_wait3A_46 = tpu.memref_slice %arg5[%dma_wait3A, %dma_wait3A_45] : memref<16x128xi32, #tpu.memory_space<vmem>> -> memref<1x128xi32, #tpu.memory_space<vmem>>
    %dma_wait3A_47 = tpu.memref_squeeze %dma_wait3A_46 : memref<1x128xi32, #tpu.memory_space<vmem>> -> memref<128xi32, #tpu.memory_space<vmem>>
    %dma_wait3A_48 = arith.constant 0 : i32
    %dma_wait3A_49 = arith.constant 0 : i32
    %dma_wait3A_50 = tpu.memref_slice %arg2[%dma_wait3A_48, %dma_wait3A_49] : memref<1000000x128xf32, #tpu.memory_space<hbm>> -> memref<1000000x128xf32, #tpu.memory_space<hbm>>
    tpu.wait_indirect_dma semaphore(%arg7 : memref<!tpu.dma_semaphore, #tpu.memory_space<semaphore_mem>>) src(%dma_wait3A_50 : memref<1000000x128xf32, #tpu.memory_space<hbm>>) dst(%dma_wait3A_44 : memref<128x128xf32, #tpu.memory_space<vmem>>)
    %dma_wait3A_51 = arith.constant 1 : i32
    %dma_wait3A_52 = arith.constant 128 : i32
    %dma_wait3A_53 = arith.constant 0 : i32
    %dma_wait3A_54 = tpu.memref_slice %arg6[%dma_wait3A_52, %dma_wait3A_53] : memref<512x128xf32, #tpu.memory_space<vmem>> -> memref<128x128xf32, #tpu.memory_space<vmem>>
    %dma_wait3A_55 = arith.constant 0 : i32
    %dma_wait3A_56 = tpu.memref_slice %arg5[%dma_wait3A_51, %dma_wait3A_55] : memref<16x128xi32, #tpu.memory_space<vmem>> -> memref<1x128xi32, #tpu.memory_space<vmem>>
    %dma_wait3A_57 = tpu.memref_squeeze %dma_wait3A_56 : memref<1x128xi32, #tpu.memory_space<vmem>> -> memref<128xi32, #tpu.memory_space<vmem>>
    %dma_wait3A_58 = arith.constant 0 : i32
    %dma_wait3A_59 = arith.constant 0 : i32
    %dma_wait3A_60 = tpu.memref_slice %arg2[%dma_wait3A_58, %dma_wait3A_59] : memref<1000000x128xf32, #tpu.memory_space<hbm>> -> memref<1000000x128xf32, #tpu.memory_space<hbm>>
    tpu.wait_indirect_dma semaphore(%arg7 : memref<!tpu.dma_semaphore, #tpu.memory_space<semaphore_mem>>) src(%dma_wait3A_60 : memref<1000000x128xf32, #tpu.memory_space<hbm>>) dst(%dma_wait3A_54 : memref<128x128xf32, #tpu.memory_space<vmem>>)
    %dma_wait3A_61 = arith.constant 2 : i32
    %dma_wait3A_62 = arith.constant 256 : i32
    %dma_wait3A_63 = arith.constant 0 : i32
    %dma_wait3A_64 = tpu.memref_slice %arg6[%dma_wait3A_62, %dma_wait3A_63] : memref<512x128xf32, #tpu.memory_space<vmem>> -> memref<128x128xf32, #tpu.memory_space<vmem>>
    %dma_wait3A_65 = arith.constant 0 : i32
    %dma_wait3A_66 = tpu.memref_slice %arg5[%dma_wait3A_61, %dma_wait3A_65] : memref<16x128xi32, #tpu.memory_space<vmem>> -> memref<1x128xi32, #tpu.memory_space<vmem>>
    %dma_wait3A_67 = tpu.memref_squeeze %dma_wait3A_66 : memref<1x128xi32, #tpu.memory_space<vmem>> -> memref<128xi32, #tpu.memory_space<vmem>>
    %dma_wait3A_68 = arith.constant 0 : i32
    %dma_wait3A_69 = arith.constant 0 : i32
    %dma_wait3A_70 = tpu.memref_slice %arg2[%dma_wait3A_68, %dma_wait3A_69] : memref<1000000x128xf32, #tpu.memory_space<hbm>> -> memref<1000000x128xf32, #tpu.memory_space<hbm>>
    tpu.wait_indirect_dma semaphore(%arg7 : memref<!tpu.dma_semaphore, #tpu.memory_space<semaphore_mem>>) src(%dma_wait3A_70 : memref<1000000x128xf32, #tpu.memory_space<hbm>>) dst(%dma_wait3A_64 : memref<128x128xf32, #tpu.memory_space<vmem>>)
    %dma_wait3A_71 = arith.constant 3 : i32
    %dma_wait3A_72 = arith.constant 384 : i32
    %dma_wait3A_73 = arith.constant 0 : i32
    %dma_wait3A_74 = tpu.memref_slice %arg6[%dma_wait3A_72, %dma_wait3A_73] : memref<512x128xf32, #tpu.memory_space<vmem>> -> memref<128x128xf32, #tpu.memory_space<vmem>>
    %dma_wait3A_75 = arith.constant 0 : i32
    %dma_wait3A_76 = tpu.memref_slice %arg5[%dma_wait3A_71, %dma_wait3A_75] : memref<16x128xi32, #tpu.memory_space<vmem>> -> memref<1x128xi32, #tpu.memory_space<vmem>>
    %dma_wait3A_77 = tpu.memref_squeeze %dma_wait3A_76 : memref<1x128xi32, #tpu.memory_space<vmem>> -> memref<128xi32, #tpu.memory_space<vmem>>
    %dma_wait3A_78 = arith.constant 0 : i32
    %dma_wait3A_79 = arith.constant 0 : i32
    %dma_wait3A_80 = tpu.memref_slice %arg2[%dma_wait3A_78, %dma_wait3A_79] : memref<1000000x128xf32, #tpu.memory_space<hbm>> -> memref<1000000x128xf32, #tpu.memory_space<hbm>>
    tpu.wait_indirect_dma semaphore(%arg7 : memref<!tpu.dma_semaphore, #tpu.memory_space<semaphore_mem>>) src(%dma_wait3A_80 : memref<1000000x128xf32, #tpu.memory_space<hbm>>) dst(%dma_wait3A_74 : memref<128x128xf32, #tpu.memory_space<vmem>>)
    %mul3A_81 = arith.constant 2048 : i32
    %mul3A_82 = arith.muli %add3A, %mul3A_81 : i32
    %add3A_83 = arith.constant 0 : i32
    %add3A_84 = arith.addi %mul3A_82, %add3A_83 : i32
    "tpu.region"() ({
      %run_scoped3A = tpu.sem_alloc : memref<!tpu.dma_semaphore, #tpu.memory_space<semaphore_mem>>
      %dma_start3A_337 = arith.constant 0 : i32
      %dma_start3A_338 = tpu.memref_slice %arg4[%add3A_84, %dma_start3A_337] : memref<65536x128xf32, #tpu.memory_space<hbm>> -> memref<512x128xf32, #tpu.memory_space<hbm>>
      %dma_start3A_339 = arith.constant 0 : i32
      %dma_start3A_340 = tpu.memref_slice %arg4[%add3A_84, %dma_start3A_339] : memref<65536x128xf32, #tpu.memory_space<hbm>> -> memref<512x128xf32, #tpu.memory_space<hbm>>
      tpu.enqueue_dma source(%arg6 : memref<512x128xf32, #tpu.memory_space<vmem>>) target(%dma_start3A_340 : memref<512x128xf32, #tpu.memory_space<hbm>>) target_semaphore(%run_scoped3A : memref<!tpu.dma_semaphore, #tpu.memory_space<semaphore_mem>>)
      %dma_wait3A_341 = arith.constant 0 : i32
      %dma_wait3A_342 = tpu.memref_slice %arg4[%add3A_84, %dma_wait3A_341] : memref<65536x128xf32, #tpu.memory_space<hbm>> -> memref<512x128xf32, #tpu.memory_space<hbm>>
      %dma_wait3A_343 = arith.constant 0 : i32
      %dma_wait3A_344 = tpu.memref_slice %arg4[%add3A_84, %dma_wait3A_343] : memref<65536x128xf32, #tpu.memory_space<hbm>> -> memref<512x128xf32, #tpu.memory_space<hbm>>
      tpu.wait_dma2 semaphore(%run_scoped3A : memref<!tpu.dma_semaphore, #tpu.memory_space<semaphore_mem>>) src(%arg6 : memref<512x128xf32, #tpu.memory_space<vmem>>) dst(%dma_wait3A_344 : memref<512x128xf32, #tpu.memory_space<hbm>>)
      tpu.yield
    }) : () -> ()
    %dma_start3A_85 = arith.constant 4 : i32
    %dma_start3A_86 = arith.constant 0 : i32
    %dma_start3A_87 = arith.constant 0 : i32
    %dma_start3A_88 = tpu.memref_slice %arg6[%dma_start3A_86, %dma_start3A_87] : memref<512x128xf32, #tpu.memory_space<vmem>> -> memref<128x128xf32, #tpu.memory_space<vmem>>
    %dma_start3A_89 = arith.constant 0 : i32
    %dma_start3A_90 = tpu.memref_slice %arg5[%dma_start3A_85, %dma_start3A_89] : memref<16x128xi32, #tpu.memory_space<vmem>> -> memref<1x128xi32, #tpu.memory_space<vmem>>
    %dma_start3A_91 = tpu.memref_squeeze %dma_start3A_90 : memref<1x128xi32, #tpu.memory_space<vmem>> -> memref<128xi32, #tpu.memory_space<vmem>>
    %dma_start3A_92 = arith.constant 0 : i32
    %dma_start3A_93 = arith.constant 0 : i32
    %dma_start3A_94 = tpu.memref_slice %arg2[%dma_start3A_92, %dma_start3A_93] : memref<1000000x128xf32, #tpu.memory_space<hbm>> -> memref<1000000x128xf32, #tpu.memory_space<hbm>>
    tpu.enqueue_indirect_dma source(%dma_start3A_94 : memref<1000000x128xf32, #tpu.memory_space<hbm>>) target(%dma_start3A_88 : memref<128x128xf32, #tpu.memory_space<vmem>>) offsets(%dma_start3A_91 : memref<128xi32, #tpu.memory_space<vmem>>) semaphore(%arg7 : memref<!tpu.dma_semaphore, #tpu.memory_space<semaphore_mem>>)
    %dma_start3A_95 = arith.constant 5 : i32
    %dma_start3A_96 = arith.constant 128 : i32
    %dma_start3A_97 = arith.constant 0 : i32
    %dma_start3A_98 = tpu.memref_slice %arg6[%dma_start3A_96, %dma_start3A_97] : memref<512x128xf32, #tpu.memory_space<vmem>> -> memref<128x128xf32, #tpu.memory_space<vmem>>
    %dma_start3A_99 = arith.constant 0 : i32
    %dma_start3A_100 = tpu.memref_slice %arg5[%dma_start3A_95, %dma_start3A_99] : memref<16x128xi32, #tpu.memory_space<vmem>> -> memref<1x128xi32, #tpu.memory_space<vmem>>
    %dma_start3A_101 = tpu.memref_squeeze %dma_start3A_100 : memref<1x128xi32, #tpu.memory_space<vmem>> -> memref<128xi32, #tpu.memory_space<vmem>>
    %dma_start3A_102 = arith.constant 0 : i32
    %dma_start3A_103 = arith.constant 0 : i32
    %dma_start3A_104 = tpu.memref_slice %arg2[%dma_start3A_102, %dma_start3A_103] : memref<1000000x128xf32, #tpu.memory_space<hbm>> -> memref<1000000x128xf32, #tpu.memory_space<hbm>>
    tpu.enqueue_indirect_dma source(%dma_start3A_104 : memref<1000000x128xf32, #tpu.memory_space<hbm>>) target(%dma_start3A_98 : memref<128x128xf32, #tpu.memory_space<vmem>>) offsets(%dma_start3A_101 : memref<128xi32, #tpu.memory_space<vmem>>) semaphore(%arg7 : memref<!tpu.dma_semaphore, #tpu.memory_space<semaphore_mem>>)
    %dma_start3A_105 = arith.constant 6 : i32
    %dma_start3A_106 = arith.constant 256 : i32
    %dma_start3A_107 = arith.constant 0 : i32
    %dma_start3A_108 = tpu.memref_slice %arg6[%dma_start3A_106, %dma_start3A_107] : memref<512x128xf32, #tpu.memory_space<vmem>> -> memref<128x128xf32, #tpu.memory_space<vmem>>
    %dma_start3A_109 = arith.constant 0 : i32
    %dma_start3A_110 = tpu.memref_slice %arg5[%dma_start3A_105, %dma_start3A_109] : memref<16x128xi32, #tpu.memory_space<vmem>> -> memref<1x128xi32, #tpu.memory_space<vmem>>
    %dma_start3A_111 = tpu.memref_squeeze %dma_start3A_110 : memref<1x128xi32, #tpu.memory_space<vmem>> -> memref<128xi32, #tpu.memory_space<vmem>>
    %dma_start3A_112 = arith.constant 0 : i32
    %dma_start3A_113 = arith.constant 0 : i32
    %dma_start3A_114 = tpu.memref_slice %arg2[%dma_start3A_112, %dma_start3A_113] : memref<1000000x128xf32, #tpu.memory_space<hbm>> -> memref<1000000x128xf32, #tpu.memory_space<hbm>>
    tpu.enqueue_indirect_dma source(%dma_start3A_114 : memref<1000000x128xf32, #tpu.memory_space<hbm>>) target(%dma_start3A_108 : memref<128x128xf32, #tpu.memory_space<vmem>>) offsets(%dma_start3A_111 : memref<128xi32, #tpu.memory_space<vmem>>) semaphore(%arg7 : memref<!tpu.dma_semaphore, #tpu.memory_space<semaphore_mem>>)
    %dma_start3A_115 = arith.constant 7 : i32
    %dma_start3A_116 = arith.constant 384 : i32
    %dma_start3A_117 = arith.constant 0 : i32
    %dma_start3A_118 = tpu.memref_slice %arg6[%dma_start3A_116, %dma_start3A_117] : memref<512x128xf32, #tpu.memory_space<vmem>> -> memref<128x128xf32, #tpu.memory_space<vmem>>
    %dma_start3A_119 = arith.constant 0 : i32
    %dma_start3A_120 = tpu.memref_slice %arg5[%dma_start3A_115, %dma_start3A_119] : memref<16x128xi32, #tpu.memory_space<vmem>> -> memref<1x128xi32, #tpu.memory_space<vmem>>
    %dma_start3A_121 = tpu.memref_squeeze %dma_start3A_120 : memref<1x128xi32, #tpu.memory_space<vmem>> -> memref<128xi32, #tpu.memory_space<vmem>>
    %dma_start3A_122 = arith.constant 0 : i32
    %dma_start3A_123 = arith.constant 0 : i32
    %dma_start3A_124 = tpu.memref_slice %arg2[%dma_start3A_122, %dma_start3A_123] : memref<1000000x128xf32, #tpu.memory_space<hbm>> -> memref<1000000x128xf32, #tpu.memory_space<hbm>>
    tpu.enqueue_indirect_dma source(%dma_start3A_124 : memref<1000000x128xf32, #tpu.memory_space<hbm>>) target(%dma_start3A_118 : memref<128x128xf32, #tpu.memory_space<vmem>>) offsets(%dma_start3A_121 : memref<128xi32, #tpu.memory_space<vmem>>) semaphore(%arg7 : memref<!tpu.dma_semaphore, #tpu.memory_space<semaphore_mem>>)
    %dma_wait3A_125 = arith.constant 4 : i32
    %dma_wait3A_126 = arith.constant 0 : i32
    %dma_wait3A_127 = arith.constant 0 : i32
    %dma_wait3A_128 = tpu.memref_slice %arg6[%dma_wait3A_126, %dma_wait3A_127] : memref<512x128xf32, #tpu.memory_space<vmem>> -> memref<128x128xf32, #tpu.memory_space<vmem>>
    %dma_wait3A_129 = arith.constant 0 : i32
    %dma_wait3A_130 = tpu.memref_slice %arg5[%dma_wait3A_125, %dma_wait3A_129] : memref<16x128xi32, #tpu.memory_space<vmem>> -> memref<1x128xi32, #tpu.memory_space<vmem>>
    %dma_wait3A_131 = tpu.memref_squeeze %dma_wait3A_130 : memref<1x128xi32, #tpu.memory_space<vmem>> -> memref<128xi32, #tpu.memory_space<vmem>>
    %dma_wait3A_132 = arith.constant 0 : i32
    %dma_wait3A_133 = arith.constant 0 : i32
    %dma_wait3A_134 = tpu.memref_slice %arg2[%dma_wait3A_132, %dma_wait3A_133] : memref<1000000x128xf32, #tpu.memory_space<hbm>> -> memref<1000000x128xf32, #tpu.memory_space<hbm>>
    tpu.wait_indirect_dma semaphore(%arg7 : memref<!tpu.dma_semaphore, #tpu.memory_space<semaphore_mem>>) src(%dma_wait3A_134 : memref<1000000x128xf32, #tpu.memory_space<hbm>>) dst(%dma_wait3A_128 : memref<128x128xf32, #tpu.memory_space<vmem>>)
    %dma_wait3A_135 = arith.constant 5 : i32
    %dma_wait3A_136 = arith.constant 128 : i32
    %dma_wait3A_137 = arith.constant 0 : i32
    %dma_wait3A_138 = tpu.memref_slice %arg6[%dma_wait3A_136, %dma_wait3A_137] : memref<512x128xf32, #tpu.memory_space<vmem>> -> memref<128x128xf32, #tpu.memory_space<vmem>>
    %dma_wait3A_139 = arith.constant 0 : i32
    %dma_wait3A_140 = tpu.memref_slice %arg5[%dma_wait3A_135, %dma_wait3A_139] : memref<16x128xi32, #tpu.memory_space<vmem>> -> memref<1x128xi32, #tpu.memory_space<vmem>>
    %dma_wait3A_141 = tpu.memref_squeeze %dma_wait3A_140 : memref<1x128xi32, #tpu.memory_space<vmem>> -> memref<128xi32, #tpu.memory_space<vmem>>
    %dma_wait3A_142 = arith.constant 0 : i32
    %dma_wait3A_143 = arith.constant 0 : i32
    %dma_wait3A_144 = tpu.memref_slice %arg2[%dma_wait3A_142, %dma_wait3A_143] : memref<1000000x128xf32, #tpu.memory_space<hbm>> -> memref<1000000x128xf32, #tpu.memory_space<hbm>>
    tpu.wait_indirect_dma semaphore(%arg7 : memref<!tpu.dma_semaphore, #tpu.memory_space<semaphore_mem>>) src(%dma_wait3A_144 : memref<1000000x128xf32, #tpu.memory_space<hbm>>) dst(%dma_wait3A_138 : memref<128x128xf32, #tpu.memory_space<vmem>>)
    %dma_wait3A_145 = arith.constant 6 : i32
    %dma_wait3A_146 = arith.constant 256 : i32
    %dma_wait3A_147 = arith.constant 0 : i32
    %dma_wait3A_148 = tpu.memref_slice %arg6[%dma_wait3A_146, %dma_wait3A_147] : memref<512x128xf32, #tpu.memory_space<vmem>> -> memref<128x128xf32, #tpu.memory_space<vmem>>
    %dma_wait3A_149 = arith.constant 0 : i32
    %dma_wait3A_150 = tpu.memref_slice %arg5[%dma_wait3A_145, %dma_wait3A_149] : memref<16x128xi32, #tpu.memory_space<vmem>> -> memref<1x128xi32, #tpu.memory_space<vmem>>
    %dma_wait3A_151 = tpu.memref_squeeze %dma_wait3A_150 : memref<1x128xi32, #tpu.memory_space<vmem>> -> memref<128xi32, #tpu.memory_space<vmem>>
    %dma_wait3A_152 = arith.constant 0 : i32
    %dma_wait3A_153 = arith.constant 0 : i32
    %dma_wait3A_154 = tpu.memref_slice %arg2[%dma_wait3A_152, %dma_wait3A_153] : memref<1000000x128xf32, #tpu.memory_space<hbm>> -> memref<1000000x128xf32, #tpu.memory_space<hbm>>
    tpu.wait_indirect_dma semaphore(%arg7 : memref<!tpu.dma_semaphore, #tpu.memory_space<semaphore_mem>>) src(%dma_wait3A_154 : memref<1000000x128xf32, #tpu.memory_space<hbm>>) dst(%dma_wait3A_148 : memref<128x128xf32, #tpu.memory_space<vmem>>)
    %dma_wait3A_155 = arith.constant 7 : i32
    %dma_wait3A_156 = arith.constant 384 : i32
    %dma_wait3A_157 = arith.constant 0 : i32
    %dma_wait3A_158 = tpu.memref_slice %arg6[%dma_wait3A_156, %dma_wait3A_157] : memref<512x128xf32, #tpu.memory_space<vmem>> -> memref<128x128xf32, #tpu.memory_space<vmem>>
    %dma_wait3A_159 = arith.constant 0 : i32
    %dma_wait3A_160 = tpu.memref_slice %arg5[%dma_wait3A_155, %dma_wait3A_159] : memref<16x128xi32, #tpu.memory_space<vmem>> -> memref<1x128xi32, #tpu.memory_space<vmem>>
    %dma_wait3A_161 = tpu.memref_squeeze %dma_wait3A_160 : memref<1x128xi32, #tpu.memory_space<vmem>> -> memref<128xi32, #tpu.memory_space<vmem>>
    %dma_wait3A_162 = arith.constant 0 : i32
    %dma_wait3A_163 = arith.constant 0 : i32
    %dma_wait3A_164 = tpu.memref_slice %arg2[%dma_wait3A_162, %dma_wait3A_163] : memref<1000000x128xf32, #tpu.memory_space<hbm>> -> memref<1000000x128xf32, #tpu.memory_space<hbm>>
    tpu.wait_indirect_dma semaphore(%arg7 : memref<!tpu.dma_semaphore, #tpu.memory_space<semaphore_mem>>) src(%dma_wait3A_164 : memref<1000000x128xf32, #tpu.memory_space<hbm>>) dst(%dma_wait3A_158 : memref<128x128xf32, #tpu.memory_space<vmem>>)
    %mul3A_165 = arith.constant 2048 : i32
    %mul3A_166 = arith.muli %add3A, %mul3A_165 : i32
    %add3A_167 = arith.constant 512 : i32
    %add3A_168 = arith.addi %mul3A_166, %add3A_167 : i32
    "tpu.region"() ({
      %run_scoped3A = tpu.sem_alloc : memref<!tpu.dma_semaphore, #tpu.memory_space<semaphore_mem>>
      %dma_start3A_337 = arith.constant 0 : i32
      %dma_start3A_338 = tpu.memref_slice %arg4[%add3A_168, %dma_start3A_337] : memref<65536x128xf32, #tpu.memory_space<hbm>> -> memref<512x128xf32, #tpu.memory_space<hbm>>
      %dma_start3A_339 = arith.constant 0 : i32
      %dma_start3A_340 = tpu.memref_slice %arg4[%add3A_168, %dma_start3A_339] : memref<65536x128xf32, #tpu.memory_space<hbm>> -> memref<512x128xf32, #tpu.memory_space<hbm>>
      tpu.enqueue_dma source(%arg6 : memref<512x128xf32, #tpu.memory_space<vmem>>) target(%dma_start3A_340 : memref<512x128xf32, #tpu.memory_space<hbm>>) target_semaphore(%run_scoped3A : memref<!tpu.dma_semaphore, #tpu.memory_space<semaphore_mem>>)
      %dma_wait3A_341 = arith.constant 0 : i32
      %dma_wait3A_342 = tpu.memref_slice %arg4[%add3A_168, %dma_wait3A_341] : memref<65536x128xf32, #tpu.memory_space<hbm>> -> memref<512x128xf32, #tpu.memory_space<hbm>>
      %dma_wait3A_343 = arith.constant 0 : i32
      %dma_wait3A_344 = tpu.memref_slice %arg4[%add3A_168, %dma_wait3A_343] : memref<65536x128xf32, #tpu.memory_space<hbm>> -> memref<512x128xf32, #tpu.memory_space<hbm>>
      tpu.wait_dma2 semaphore(%run_scoped3A : memref<!tpu.dma_semaphore, #tpu.memory_space<semaphore_mem>>) src(%arg6 : memref<512x128xf32, #tpu.memory_space<vmem>>) dst(%dma_wait3A_344 : memref<512x128xf32, #tpu.memory_space<hbm>>)
      tpu.yield
    }) : () -> ()
    %dma_start3A_169 = arith.constant 8 : i32
    %dma_start3A_170 = arith.constant 0 : i32
    %dma_start3A_171 = arith.constant 0 : i32
    %dma_start3A_172 = tpu.memref_slice %arg6[%dma_start3A_170, %dma_start3A_171] : memref<512x128xf32, #tpu.memory_space<vmem>> -> memref<128x128xf32, #tpu.memory_space<vmem>>
    %dma_start3A_173 = arith.constant 0 : i32
    %dma_start3A_174 = tpu.memref_slice %arg5[%dma_start3A_169, %dma_start3A_173] : memref<16x128xi32, #tpu.memory_space<vmem>> -> memref<1x128xi32, #tpu.memory_space<vmem>>
    %dma_start3A_175 = tpu.memref_squeeze %dma_start3A_174 : memref<1x128xi32, #tpu.memory_space<vmem>> -> memref<128xi32, #tpu.memory_space<vmem>>
    %dma_start3A_176 = arith.constant 0 : i32
    %dma_start3A_177 = arith.constant 0 : i32
    %dma_start3A_178 = tpu.memref_slice %arg2[%dma_start3A_176, %dma_start3A_177] : memref<1000000x128xf32, #tpu.memory_space<hbm>> -> memref<1000000x128xf32, #tpu.memory_space<hbm>>
    tpu.enqueue_indirect_dma source(%dma_start3A_178 : memref<1000000x128xf32, #tpu.memory_space<hbm>>) target(%dma_start3A_172 : memref<128x128xf32, #tpu.memory_space<vmem>>) offsets(%dma_start3A_175 : memref<128xi32, #tpu.memory_space<vmem>>) semaphore(%arg7 : memref<!tpu.dma_semaphore, #tpu.memory_space<semaphore_mem>>)
    %dma_start3A_179 = arith.constant 9 : i32
    %dma_start3A_180 = arith.constant 128 : i32
    %dma_start3A_181 = arith.constant 0 : i32
    %dma_start3A_182 = tpu.memref_slice %arg6[%dma_start3A_180, %dma_start3A_181] : memref<512x128xf32, #tpu.memory_space<vmem>> -> memref<128x128xf32, #tpu.memory_space<vmem>>
    %dma_start3A_183 = arith.constant 0 : i32
    %dma_start3A_184 = tpu.memref_slice %arg5[%dma_start3A_179, %dma_start3A_183] : memref<16x128xi32, #tpu.memory_space<vmem>> -> memref<1x128xi32, #tpu.memory_space<vmem>>
    %dma_start3A_185 = tpu.memref_squeeze %dma_start3A_184 : memref<1x128xi32, #tpu.memory_space<vmem>> -> memref<128xi32, #tpu.memory_space<vmem>>
    %dma_start3A_186 = arith.constant 0 : i32
    %dma_start3A_187 = arith.constant 0 : i32
    %dma_start3A_188 = tpu.memref_slice %arg2[%dma_start3A_186, %dma_start3A_187] : memref<1000000x128xf32, #tpu.memory_space<hbm>> -> memref<1000000x128xf32, #tpu.memory_space<hbm>>
    tpu.enqueue_indirect_dma source(%dma_start3A_188 : memref<1000000x128xf32, #tpu.memory_space<hbm>>) target(%dma_start3A_182 : memref<128x128xf32, #tpu.memory_space<vmem>>) offsets(%dma_start3A_185 : memref<128xi32, #tpu.memory_space<vmem>>) semaphore(%arg7 : memref<!tpu.dma_semaphore, #tpu.memory_space<semaphore_mem>>)
    %dma_start3A_189 = arith.constant 10 : i32
    %dma_start3A_190 = arith.constant 256 : i32
    %dma_start3A_191 = arith.constant 0 : i32
    %dma_start3A_192 = tpu.memref_slice %arg6[%dma_start3A_190, %dma_start3A_191] : memref<512x128xf32, #tpu.memory_space<vmem>> -> memref<128x128xf32, #tpu.memory_space<vmem>>
    %dma_start3A_193 = arith.constant 0 : i32
    %dma_start3A_194 = tpu.memref_slice %arg5[%dma_start3A_189, %dma_start3A_193] : memref<16x128xi32, #tpu.memory_space<vmem>> -> memref<1x128xi32, #tpu.memory_space<vmem>>
    %dma_start3A_195 = tpu.memref_squeeze %dma_start3A_194 : memref<1x128xi32, #tpu.memory_space<vmem>> -> memref<128xi32, #tpu.memory_space<vmem>>
    %dma_start3A_196 = arith.constant 0 : i32
    %dma_start3A_197 = arith.constant 0 : i32
    %dma_start3A_198 = tpu.memref_slice %arg2[%dma_start3A_196, %dma_start3A_197] : memref<1000000x128xf32, #tpu.memory_space<hbm>> -> memref<1000000x128xf32, #tpu.memory_space<hbm>>
    tpu.enqueue_indirect_dma source(%dma_start3A_198 : memref<1000000x128xf32, #tpu.memory_space<hbm>>) target(%dma_start3A_192 : memref<128x128xf32, #tpu.memory_space<vmem>>) offsets(%dma_start3A_195 : memref<128xi32, #tpu.memory_space<vmem>>) semaphore(%arg7 : memref<!tpu.dma_semaphore, #tpu.memory_space<semaphore_mem>>)
    %dma_start3A_199 = arith.constant 11 : i32
    %dma_start3A_200 = arith.constant 384 : i32
    %dma_start3A_201 = arith.constant 0 : i32
    %dma_start3A_202 = tpu.memref_slice %arg6[%dma_start3A_200, %dma_start3A_201] : memref<512x128xf32, #tpu.memory_space<vmem>> -> memref<128x128xf32, #tpu.memory_space<vmem>>
    %dma_start3A_203 = arith.constant 0 : i32
    %dma_start3A_204 = tpu.memref_slice %arg5[%dma_start3A_199, %dma_start3A_203] : memref<16x128xi32, #tpu.memory_space<vmem>> -> memref<1x128xi32, #tpu.memory_space<vmem>>
    %dma_start3A_205 = tpu.memref_squeeze %dma_start3A_204 : memref<1x128xi32, #tpu.memory_space<vmem>> -> memref<128xi32, #tpu.memory_space<vmem>>
    %dma_start3A_206 = arith.constant 0 : i32
    %dma_start3A_207 = arith.constant 0 : i32
    %dma_start3A_208 = tpu.memref_slice %arg2[%dma_start3A_206, %dma_start3A_207] : memref<1000000x128xf32, #tpu.memory_space<hbm>> -> memref<1000000x128xf32, #tpu.memory_space<hbm>>
    tpu.enqueue_indirect_dma source(%dma_start3A_208 : memref<1000000x128xf32, #tpu.memory_space<hbm>>) target(%dma_start3A_202 : memref<128x128xf32, #tpu.memory_space<vmem>>) offsets(%dma_start3A_205 : memref<128xi32, #tpu.memory_space<vmem>>) semaphore(%arg7 : memref<!tpu.dma_semaphore, #tpu.memory_space<semaphore_mem>>)
    %dma_wait3A_209 = arith.constant 8 : i32
    %dma_wait3A_210 = arith.constant 0 : i32
    %dma_wait3A_211 = arith.constant 0 : i32
    %dma_wait3A_212 = tpu.memref_slice %arg6[%dma_wait3A_210, %dma_wait3A_211] : memref<512x128xf32, #tpu.memory_space<vmem>> -> memref<128x128xf32, #tpu.memory_space<vmem>>
    %dma_wait3A_213 = arith.constant 0 : i32
    %dma_wait3A_214 = tpu.memref_slice %arg5[%dma_wait3A_209, %dma_wait3A_213] : memref<16x128xi32, #tpu.memory_space<vmem>> -> memref<1x128xi32, #tpu.memory_space<vmem>>
    %dma_wait3A_215 = tpu.memref_squeeze %dma_wait3A_214 : memref<1x128xi32, #tpu.memory_space<vmem>> -> memref<128xi32, #tpu.memory_space<vmem>>
    %dma_wait3A_216 = arith.constant 0 : i32
    %dma_wait3A_217 = arith.constant 0 : i32
    %dma_wait3A_218 = tpu.memref_slice %arg2[%dma_wait3A_216, %dma_wait3A_217] : memref<1000000x128xf32, #tpu.memory_space<hbm>> -> memref<1000000x128xf32, #tpu.memory_space<hbm>>
    tpu.wait_indirect_dma semaphore(%arg7 : memref<!tpu.dma_semaphore, #tpu.memory_space<semaphore_mem>>) src(%dma_wait3A_218 : memref<1000000x128xf32, #tpu.memory_space<hbm>>) dst(%dma_wait3A_212 : memref<128x128xf32, #tpu.memory_space<vmem>>)
    %dma_wait3A_219 = arith.constant 9 : i32
    %dma_wait3A_220 = arith.constant 128 : i32
    %dma_wait3A_221 = arith.constant 0 : i32
    %dma_wait3A_222 = tpu.memref_slice %arg6[%dma_wait3A_220, %dma_wait3A_221] : memref<512x128xf32, #tpu.memory_space<vmem>> -> memref<128x128xf32, #tpu.memory_space<vmem>>
    %dma_wait3A_223 = arith.constant 0 : i32
    %dma_wait3A_224 = tpu.memref_slice %arg5[%dma_wait3A_219, %dma_wait3A_223] : memref<16x128xi32, #tpu.memory_space<vmem>> -> memref<1x128xi32, #tpu.memory_space<vmem>>
    %dma_wait3A_225 = tpu.memref_squeeze %dma_wait3A_224 : memref<1x128xi32, #tpu.memory_space<vmem>> -> memref<128xi32, #tpu.memory_space<vmem>>
    %dma_wait3A_226 = arith.constant 0 : i32
    %dma_wait3A_227 = arith.constant 0 : i32
    %dma_wait3A_228 = tpu.memref_slice %arg2[%dma_wait3A_226, %dma_wait3A_227] : memref<1000000x128xf32, #tpu.memory_space<hbm>> -> memref<1000000x128xf32, #tpu.memory_space<hbm>>
    tpu.wait_indirect_dma semaphore(%arg7 : memref<!tpu.dma_semaphore, #tpu.memory_space<semaphore_mem>>) src(%dma_wait3A_228 : memref<1000000x128xf32, #tpu.memory_space<hbm>>) dst(%dma_wait3A_222 : memref<128x128xf32, #tpu.memory_space<vmem>>)
    %dma_wait3A_229 = arith.constant 10 : i32
    %dma_wait3A_230 = arith.constant 256 : i32
    %dma_wait3A_231 = arith.constant 0 : i32
    %dma_wait3A_232 = tpu.memref_slice %arg6[%dma_wait3A_230, %dma_wait3A_231] : memref<512x128xf32, #tpu.memory_space<vmem>> -> memref<128x128xf32, #tpu.memory_space<vmem>>
    %dma_wait3A_233 = arith.constant 0 : i32
    %dma_wait3A_234 = tpu.memref_slice %arg5[%dma_wait3A_229, %dma_wait3A_233] : memref<16x128xi32, #tpu.memory_space<vmem>> -> memref<1x128xi32, #tpu.memory_space<vmem>>
    %dma_wait3A_235 = tpu.memref_squeeze %dma_wait3A_234 : memref<1x128xi32, #tpu.memory_space<vmem>> -> memref<128xi32, #tpu.memory_space<vmem>>
    %dma_wait3A_236 = arith.constant 0 : i32
    %dma_wait3A_237 = arith.constant 0 : i32
    %dma_wait3A_238 = tpu.memref_slice %arg2[%dma_wait3A_236, %dma_wait3A_237] : memref<1000000x128xf32, #tpu.memory_space<hbm>> -> memref<1000000x128xf32, #tpu.memory_space<hbm>>
    tpu.wait_indirect_dma semaphore(%arg7 : memref<!tpu.dma_semaphore, #tpu.memory_space<semaphore_mem>>) src(%dma_wait3A_238 : memref<1000000x128xf32, #tpu.memory_space<hbm>>) dst(%dma_wait3A_232 : memref<128x128xf32, #tpu.memory_space<vmem>>)
    %dma_wait3A_239 = arith.constant 11 : i32
    %dma_wait3A_240 = arith.constant 384 : i32
    %dma_wait3A_241 = arith.constant 0 : i32
    %dma_wait3A_242 = tpu.memref_slice %arg6[%dma_wait3A_240, %dma_wait3A_241] : memref<512x128xf32, #tpu.memory_space<vmem>> -> memref<128x128xf32, #tpu.memory_space<vmem>>
    %dma_wait3A_243 = arith.constant 0 : i32
    %dma_wait3A_244 = tpu.memref_slice %arg5[%dma_wait3A_239, %dma_wait3A_243] : memref<16x128xi32, #tpu.memory_space<vmem>> -> memref<1x128xi32, #tpu.memory_space<vmem>>
    %dma_wait3A_245 = tpu.memref_squeeze %dma_wait3A_244 : memref<1x128xi32, #tpu.memory_space<vmem>> -> memref<128xi32, #tpu.memory_space<vmem>>
    %dma_wait3A_246 = arith.constant 0 : i32
    %dma_wait3A_247 = arith.constant 0 : i32
    %dma_wait3A_248 = tpu.memref_slice %arg2[%dma_wait3A_246, %dma_wait3A_247] : memref<1000000x128xf32, #tpu.memory_space<hbm>> -> memref<1000000x128xf32, #tpu.memory_space<hbm>>
    tpu.wait_indirect_dma semaphore(%arg7 : memref<!tpu.dma_semaphore, #tpu.memory_space<semaphore_mem>>) src(%dma_wait3A_248 : memref<1000000x128xf32, #tpu.memory_space<hbm>>) dst(%dma_wait3A_242 : memref<128x128xf32, #tpu.memory_space<vmem>>)
    %mul3A_249 = arith.constant 2048 : i32
    %mul3A_250 = arith.muli %add3A, %mul3A_249 : i32
    %add3A_251 = arith.constant 1024 : i32
    %add3A_252 = arith.addi %mul3A_250, %add3A_251 : i32
    "tpu.region"() ({
      %run_scoped3A = tpu.sem_alloc : memref<!tpu.dma_semaphore, #tpu.memory_space<semaphore_mem>>
      %dma_start3A_337 = arith.constant 0 : i32
      %dma_start3A_338 = tpu.memref_slice %arg4[%add3A_252, %dma_start3A_337] : memref<65536x128xf32, #tpu.memory_space<hbm>> -> memref<512x128xf32, #tpu.memory_space<hbm>>
      %dma_start3A_339 = arith.constant 0 : i32
      %dma_start3A_340 = tpu.memref_slice %arg4[%add3A_252, %dma_start3A_339] : memref<65536x128xf32, #tpu.memory_space<hbm>> -> memref<512x128xf32, #tpu.memory_space<hbm>>
      tpu.enqueue_dma source(%arg6 : memref<512x128xf32, #tpu.memory_space<vmem>>) target(%dma_start3A_340 : memref<512x128xf32, #tpu.memory_space<hbm>>) target_semaphore(%run_scoped3A : memref<!tpu.dma_semaphore, #tpu.memory_space<semaphore_mem>>)
      %dma_wait3A_341 = arith.constant 0 : i32
      %dma_wait3A_342 = tpu.memref_slice %arg4[%add3A_252, %dma_wait3A_341] : memref<65536x128xf32, #tpu.memory_space<hbm>> -> memref<512x128xf32, #tpu.memory_space<hbm>>
      %dma_wait3A_343 = arith.constant 0 : i32
      %dma_wait3A_344 = tpu.memref_slice %arg4[%add3A_252, %dma_wait3A_343] : memref<65536x128xf32, #tpu.memory_space<hbm>> -> memref<512x128xf32, #tpu.memory_space<hbm>>
      tpu.wait_dma2 semaphore(%run_scoped3A : memref<!tpu.dma_semaphore, #tpu.memory_space<semaphore_mem>>) src(%arg6 : memref<512x128xf32, #tpu.memory_space<vmem>>) dst(%dma_wait3A_344 : memref<512x128xf32, #tpu.memory_space<hbm>>)
      tpu.yield
    }) : () -> ()
    %dma_start3A_253 = arith.constant 12 : i32
    %dma_start3A_254 = arith.constant 0 : i32
    %dma_start3A_255 = arith.constant 0 : i32
    %dma_start3A_256 = tpu.memref_slice %arg6[%dma_start3A_254, %dma_start3A_255] : memref<512x128xf32, #tpu.memory_space<vmem>> -> memref<128x128xf32, #tpu.memory_space<vmem>>
    %dma_start3A_257 = arith.constant 0 : i32
    %dma_start3A_258 = tpu.memref_slice %arg5[%dma_start3A_253, %dma_start3A_257] : memref<16x128xi32, #tpu.memory_space<vmem>> -> memref<1x128xi32, #tpu.memory_space<vmem>>
    %dma_start3A_259 = tpu.memref_squeeze %dma_start3A_258 : memref<1x128xi32, #tpu.memory_space<vmem>> -> memref<128xi32, #tpu.memory_space<vmem>>
    %dma_start3A_260 = arith.constant 0 : i32
    %dma_start3A_261 = arith.constant 0 : i32
    %dma_start3A_262 = tpu.memref_slice %arg2[%dma_start3A_260, %dma_start3A_261] : memref<1000000x128xf32, #tpu.memory_space<hbm>> -> memref<1000000x128xf32, #tpu.memory_space<hbm>>
    tpu.enqueue_indirect_dma source(%dma_start3A_262 : memref<1000000x128xf32, #tpu.memory_space<hbm>>) target(%dma_start3A_256 : memref<128x128xf32, #tpu.memory_space<vmem>>) offsets(%dma_start3A_259 : memref<128xi32, #tpu.memory_space<vmem>>) semaphore(%arg7 : memref<!tpu.dma_semaphore, #tpu.memory_space<semaphore_mem>>)
    %dma_start3A_263 = arith.constant 13 : i32
    %dma_start3A_264 = arith.constant 128 : i32
    %dma_start3A_265 = arith.constant 0 : i32
    %dma_start3A_266 = tpu.memref_slice %arg6[%dma_start3A_264, %dma_start3A_265] : memref<512x128xf32, #tpu.memory_space<vmem>> -> memref<128x128xf32, #tpu.memory_space<vmem>>
    %dma_start3A_267 = arith.constant 0 : i32
    %dma_start3A_268 = tpu.memref_slice %arg5[%dma_start3A_263, %dma_start3A_267] : memref<16x128xi32, #tpu.memory_space<vmem>> -> memref<1x128xi32, #tpu.memory_space<vmem>>
    %dma_start3A_269 = tpu.memref_squeeze %dma_start3A_268 : memref<1x128xi32, #tpu.memory_space<vmem>> -> memref<128xi32, #tpu.memory_space<vmem>>
    %dma_start3A_270 = arith.constant 0 : i32
    %dma_start3A_271 = arith.constant 0 : i32
    %dma_start3A_272 = tpu.memref_slice %arg2[%dma_start3A_270, %dma_start3A_271] : memref<1000000x128xf32, #tpu.memory_space<hbm>> -> memref<1000000x128xf32, #tpu.memory_space<hbm>>
    tpu.enqueue_indirect_dma source(%dma_start3A_272 : memref<1000000x128xf32, #tpu.memory_space<hbm>>) target(%dma_start3A_266 : memref<128x128xf32, #tpu.memory_space<vmem>>) offsets(%dma_start3A_269 : memref<128xi32, #tpu.memory_space<vmem>>) semaphore(%arg7 : memref<!tpu.dma_semaphore, #tpu.memory_space<semaphore_mem>>)
    %dma_start3A_273 = arith.constant 14 : i32
    %dma_start3A_274 = arith.constant 256 : i32
    %dma_start3A_275 = arith.constant 0 : i32
    %dma_start3A_276 = tpu.memref_slice %arg6[%dma_start3A_274, %dma_start3A_275] : memref<512x128xf32, #tpu.memory_space<vmem>> -> memref<128x128xf32, #tpu.memory_space<vmem>>
    %dma_start3A_277 = arith.constant 0 : i32
    %dma_start3A_278 = tpu.memref_slice %arg5[%dma_start3A_273, %dma_start3A_277] : memref<16x128xi32, #tpu.memory_space<vmem>> -> memref<1x128xi32, #tpu.memory_space<vmem>>
    %dma_start3A_279 = tpu.memref_squeeze %dma_start3A_278 : memref<1x128xi32, #tpu.memory_space<vmem>> -> memref<128xi32, #tpu.memory_space<vmem>>
    %dma_start3A_280 = arith.constant 0 : i32
    %dma_start3A_281 = arith.constant 0 : i32
    %dma_start3A_282 = tpu.memref_slice %arg2[%dma_start3A_280, %dma_start3A_281] : memref<1000000x128xf32, #tpu.memory_space<hbm>> -> memref<1000000x128xf32, #tpu.memory_space<hbm>>
    tpu.enqueue_indirect_dma source(%dma_start3A_282 : memref<1000000x128xf32, #tpu.memory_space<hbm>>) target(%dma_start3A_276 : memref<128x128xf32, #tpu.memory_space<vmem>>) offsets(%dma_start3A_279 : memref<128xi32, #tpu.memory_space<vmem>>) semaphore(%arg7 : memref<!tpu.dma_semaphore, #tpu.memory_space<semaphore_mem>>)
    %dma_start3A_283 = arith.constant 15 : i32
    %dma_start3A_284 = arith.constant 384 : i32
    %dma_start3A_285 = arith.constant 0 : i32
    %dma_start3A_286 = tpu.memref_slice %arg6[%dma_start3A_284, %dma_start3A_285] : memref<512x128xf32, #tpu.memory_space<vmem>> -> memref<128x128xf32, #tpu.memory_space<vmem>>
    %dma_start3A_287 = arith.constant 0 : i32
    %dma_start3A_288 = tpu.memref_slice %arg5[%dma_start3A_283, %dma_start3A_287] : memref<16x128xi32, #tpu.memory_space<vmem>> -> memref<1x128xi32, #tpu.memory_space<vmem>>
    %dma_start3A_289 = tpu.memref_squeeze %dma_start3A_288 : memref<1x128xi32, #tpu.memory_space<vmem>> -> memref<128xi32, #tpu.memory_space<vmem>>
    %dma_start3A_290 = arith.constant 0 : i32
    %dma_start3A_291 = arith.constant 0 : i32
    %dma_start3A_292 = tpu.memref_slice %arg2[%dma_start3A_290, %dma_start3A_291] : memref<1000000x128xf32, #tpu.memory_space<hbm>> -> memref<1000000x128xf32, #tpu.memory_space<hbm>>
    tpu.enqueue_indirect_dma source(%dma_start3A_292 : memref<1000000x128xf32, #tpu.memory_space<hbm>>) target(%dma_start3A_286 : memref<128x128xf32, #tpu.memory_space<vmem>>) offsets(%dma_start3A_289 : memref<128xi32, #tpu.memory_space<vmem>>) semaphore(%arg7 : memref<!tpu.dma_semaphore, #tpu.memory_space<semaphore_mem>>)
    %dma_wait3A_293 = arith.constant 12 : i32
    %dma_wait3A_294 = arith.constant 0 : i32
    %dma_wait3A_295 = arith.constant 0 : i32
    %dma_wait3A_296 = tpu.memref_slice %arg6[%dma_wait3A_294, %dma_wait3A_295] : memref<512x128xf32, #tpu.memory_space<vmem>> -> memref<128x128xf32, #tpu.memory_space<vmem>>
    %dma_wait3A_297 = arith.constant 0 : i32
    %dma_wait3A_298 = tpu.memref_slice %arg5[%dma_wait3A_293, %dma_wait3A_297] : memref<16x128xi32, #tpu.memory_space<vmem>> -> memref<1x128xi32, #tpu.memory_space<vmem>>
    %dma_wait3A_299 = tpu.memref_squeeze %dma_wait3A_298 : memref<1x128xi32, #tpu.memory_space<vmem>> -> memref<128xi32, #tpu.memory_space<vmem>>
    %dma_wait3A_300 = arith.constant 0 : i32
    %dma_wait3A_301 = arith.constant 0 : i32
    %dma_wait3A_302 = tpu.memref_slice %arg2[%dma_wait3A_300, %dma_wait3A_301] : memref<1000000x128xf32, #tpu.memory_space<hbm>> -> memref<1000000x128xf32, #tpu.memory_space<hbm>>
    tpu.wait_indirect_dma semaphore(%arg7 : memref<!tpu.dma_semaphore, #tpu.memory_space<semaphore_mem>>) src(%dma_wait3A_302 : memref<1000000x128xf32, #tpu.memory_space<hbm>>) dst(%dma_wait3A_296 : memref<128x128xf32, #tpu.memory_space<vmem>>)
    %dma_wait3A_303 = arith.constant 13 : i32
    %dma_wait3A_304 = arith.constant 128 : i32
    %dma_wait3A_305 = arith.constant 0 : i32
    %dma_wait3A_306 = tpu.memref_slice %arg6[%dma_wait3A_304, %dma_wait3A_305] : memref<512x128xf32, #tpu.memory_space<vmem>> -> memref<128x128xf32, #tpu.memory_space<vmem>>
    %dma_wait3A_307 = arith.constant 0 : i32
    %dma_wait3A_308 = tpu.memref_slice %arg5[%dma_wait3A_303, %dma_wait3A_307] : memref<16x128xi32, #tpu.memory_space<vmem>> -> memref<1x128xi32, #tpu.memory_space<vmem>>
    %dma_wait3A_309 = tpu.memref_squeeze %dma_wait3A_308 : memref<1x128xi32, #tpu.memory_space<vmem>> -> memref<128xi32, #tpu.memory_space<vmem>>
    %dma_wait3A_310 = arith.constant 0 : i32
    %dma_wait3A_311 = arith.constant 0 : i32
    %dma_wait3A_312 = tpu.memref_slice %arg2[%dma_wait3A_310, %dma_wait3A_311] : memref<1000000x128xf32, #tpu.memory_space<hbm>> -> memref<1000000x128xf32, #tpu.memory_space<hbm>>
    tpu.wait_indirect_dma semaphore(%arg7 : memref<!tpu.dma_semaphore, #tpu.memory_space<semaphore_mem>>) src(%dma_wait3A_312 : memref<1000000x128xf32, #tpu.memory_space<hbm>>) dst(%dma_wait3A_306 : memref<128x128xf32, #tpu.memory_space<vmem>>)
    %dma_wait3A_313 = arith.constant 14 : i32
    %dma_wait3A_314 = arith.constant 256 : i32
    %dma_wait3A_315 = arith.constant 0 : i32
    %dma_wait3A_316 = tpu.memref_slice %arg6[%dma_wait3A_314, %dma_wait3A_315] : memref<512x128xf32, #tpu.memory_space<vmem>> -> memref<128x128xf32, #tpu.memory_space<vmem>>
    %dma_wait3A_317 = arith.constant 0 : i32
    %dma_wait3A_318 = tpu.memref_slice %arg5[%dma_wait3A_313, %dma_wait3A_317] : memref<16x128xi32, #tpu.memory_space<vmem>> -> memref<1x128xi32, #tpu.memory_space<vmem>>
    %dma_wait3A_319 = tpu.memref_squeeze %dma_wait3A_318 : memref<1x128xi32, #tpu.memory_space<vmem>> -> memref<128xi32, #tpu.memory_space<vmem>>
    %dma_wait3A_320 = arith.constant 0 : i32
    %dma_wait3A_321 = arith.constant 0 : i32
    %dma_wait3A_322 = tpu.memref_slice %arg2[%dma_wait3A_320, %dma_wait3A_321] : memref<1000000x128xf32, #tpu.memory_space<hbm>> -> memref<1000000x128xf32, #tpu.memory_space<hbm>>
    tpu.wait_indirect_dma semaphore(%arg7 : memref<!tpu.dma_semaphore, #tpu.memory_space<semaphore_mem>>) src(%dma_wait3A_322 : memref<1000000x128xf32, #tpu.memory_space<hbm>>) dst(%dma_wait3A_316 : memref<128x128xf32, #tpu.memory_space<vmem>>)
    %dma_wait3A_323 = arith.constant 15 : i32
    %dma_wait3A_324 = arith.constant 384 : i32
    %dma_wait3A_325 = arith.constant 0 : i32
    %dma_wait3A_326 = tpu.memref_slice %arg6[%dma_wait3A_324, %dma_wait3A_325] : memref<512x128xf32, #tpu.memory_space<vmem>> -> memref<128x128xf32, #tpu.memory_space<vmem>>
    %dma_wait3A_327 = arith.constant 0 : i32
    %dma_wait3A_328 = tpu.memref_slice %arg5[%dma_wait3A_323, %dma_wait3A_327] : memref<16x128xi32, #tpu.memory_space<vmem>> -> memref<1x128xi32, #tpu.memory_space<vmem>>
    %dma_wait3A_329 = tpu.memref_squeeze %dma_wait3A_328 : memref<1x128xi32, #tpu.memory_space<vmem>> -> memref<128xi32, #tpu.memory_space<vmem>>
    %dma_wait3A_330 = arith.constant 0 : i32
    %dma_wait3A_331 = arith.constant 0 : i32
    %dma_wait3A_332 = tpu.memref_slice %arg2[%dma_wait3A_330, %dma_wait3A_331] : memref<1000000x128xf32, #tpu.memory_space<hbm>> -> memref<1000000x128xf32, #tpu.memory_space<hbm>>
    tpu.wait_indirect_dma semaphore(%arg7 : memref<!tpu.dma_semaphore, #tpu.memory_space<semaphore_mem>>) src(%dma_wait3A_332 : memref<1000000x128xf32, #tpu.memory_space<hbm>>) dst(%dma_wait3A_326 : memref<128x128xf32, #tpu.memory_space<vmem>>)
    %mul3A_333 = arith.constant 2048 : i32
    %mul3A_334 = arith.muli %add3A, %mul3A_333 : i32
    %add3A_335 = arith.constant 1536 : i32
    %add3A_336 = arith.addi %mul3A_334, %add3A_335 : i32
    "tpu.region"() ({
      %run_scoped3A = tpu.sem_alloc : memref<!tpu.dma_semaphore, #tpu.memory_space<semaphore_mem>>
      %dma_start3A_337 = arith.constant 0 : i32
      %dma_start3A_338 = tpu.memref_slice %arg4[%add3A_336, %dma_start3A_337] : memref<65536x128xf32, #tpu.memory_space<hbm>> -> memref<512x128xf32, #tpu.memory_space<hbm>>
      %dma_start3A_339 = arith.constant 0 : i32
      %dma_start3A_340 = tpu.memref_slice %arg4[%add3A_336, %dma_start3A_339] : memref<65536x128xf32, #tpu.memory_space<hbm>> -> memref<512x128xf32, #tpu.memory_space<hbm>>
      tpu.enqueue_dma source(%arg6 : memref<512x128xf32, #tpu.memory_space<vmem>>) target(%dma_start3A_340 : memref<512x128xf32, #tpu.memory_space<hbm>>) target_semaphore(%run_scoped3A : memref<!tpu.dma_semaphore, #tpu.memory_space<semaphore_mem>>)
      %dma_wait3A_341 = arith.constant 0 : i32
      %dma_wait3A_342 = tpu.memref_slice %arg4[%add3A_336, %dma_wait3A_341] : memref<65536x128xf32, #tpu.memory_space<hbm>> -> memref<512x128xf32, #tpu.memory_space<hbm>>
      %dma_wait3A_343 = arith.constant 0 : i32
      %dma_wait3A_344 = tpu.memref_slice %arg4[%add3A_336, %dma_wait3A_343] : memref<65536x128xf32, #tpu.memory_space<hbm>> -> memref<512x128xf32, #tpu.memory_space<hbm>>
      tpu.wait_dma2 semaphore(%run_scoped3A : memref<!tpu.dma_semaphore, #tpu.memory_space<semaphore_mem>>) src(%arg6 : memref<512x128xf32, #tpu.memory_space<vmem>>) dst(%dma_wait3A_344 : memref<512x128xf32, #tpu.memory_space<hbm>>)
      tpu.yield
    }) : () -> ()
    return
  }
}

module attributes {stable_mosaic.version = 14 : i64} {
  func.func @_tc_body(%arg0: i32, %arg1: memref<128x64xi32, #tpu.memory_space<vmem>>, %arg2: memref<8192x128xf32, #tpu.memory_space<vmem>>, %arg3: memref<128x64xf32, #tpu.memory_space<vmem>>, %arg4: memref<32x64xf32, #tpu.memory_space<vmem>>, %arg5: memref<1x64xf32, #tpu.memory_space<vmem>>, %arg6: memref<1x64xf32, #tpu.memory_space<vmem>>, %arg7: memref<128x64x64xf32, #tpu.memory_space<vmem>>) attributes {dimension_semantics = [#tpu.dimension_semantics<arbitrary>], iteration_bounds = array<i64: 8>, scalar_prefetch = 0 : i64, scratch_operands = 0 : i64, tpu.core_type = #tpu.core_type<tc>, window_params = [{transform_indices = @transform_0, window_bounds = array<i64: 128, 64>}, {transform_indices = @transform_1, window_bounds = array<i64: 8192, 128>}, {pipeline_mode = #tpu.pipeline_mode<synchronous>, transform_indices = @transform_2, window_bounds = array<i64: 128, 64>}, {pipeline_mode = #tpu.pipeline_mode<synchronous>, transform_indices = @transform_3, window_bounds = array<i64: 32, 64>}, {pipeline_mode = #tpu.pipeline_mode<synchronous>, transform_indices = @transform_4, window_bounds = array<i64: 1, 64>}, {pipeline_mode = #tpu.pipeline_mode<synchronous>, transform_indices = @transform_5, window_bounds = array<i64: 1, 64>}, {transform_indices = @transform_6, window_bounds = array<i64: 128, 64, 64>}]} {
    %get3A = arith.constant 0 : index
    %get3A_0 = arith.constant 0 : index
    %get3A_1 = vector.load %arg1[%get3A, %get3A_0] : memref<128x64xi32, #tpu.memory_space<vmem>>, vector<128x64xi32>
    %get3A_2 = arith.constant 0 : index
    %get3A_3 = arith.constant 0 : index
    %get3A_4 = vector.load %arg2[%get3A_2, %get3A_3] : memref<8192x128xf32, #tpu.memory_space<vmem>>, vector<8192x128xf32>
    %reshape3A = vector.shape_cast %get3A_4 : vector<8192x128xf32> to vector<128x64x128xf32>
    %slice3A = vector.extract_strided_slice %reshape3A {offsets = [0, 0, 0], sizes = [128, 64, 64], strides = [1, 1, 1]} : vector<128x64x128xf32> to vector<128x64x64xf32>
    %ne3A = arith.constant 1 : i32
    %ne3A_5 = vector.broadcast %ne3A : i32 to vector<128x64xi32>
    %ne3A_6 = arith.cmpi ne, %get3A_1, %ne3A_5 : vector<128x64xi32>
    %convert_element_type3A = arith.extui %ne3A_6 : vector<128x64xi1> to vector<128x64xi32>
    %convert_element_type3A_7 = arith.sitofp %convert_element_type3A : vector<128x64xi32> to vector<128x64xf32>
    %iota3A = tpu.iota {dimensions = array<i32: 0>} : vector<64x64xi32>
    %iota3A_8 = tpu.iota {dimensions = array<i32: 1>} : vector<64x64xi32>
    %le3A = arith.cmpi sle, %iota3A, %iota3A_8 : vector<64x64xi32>
    %convert_element_type3A_9 = arith.extui %le3A : vector<64x64xi1> to vector<64x64xi32>
    %convert_element_type3A_10 = arith.sitofp %convert_element_type3A_9 : vector<64x64xi32> to vector<64x64xf32>
    %dot_general3A = arith.constant dense<0.000000e+00> : vector<128x64xf32>
    %dot_general3A_11 = tpu.matmul %convert_element_type3A_7, %convert_element_type3A_10, %dot_general3A {dimension_numbers = #tpu.dot_dimension_numbers<[1], [0], [0], [1], [0, 0, 1, 1], [], []>, transpose_lhs_hint = false} : vector<128x64xf32>, vector<64x64xf32>, vector<128x64xf32> -> vector<128x64xf32>
    %mul3A = arith.mulf %dot_general3A_11, %convert_element_type3A_7 : vector<128x64xf32>
    %convert_element_type3A_12 = arith.fptosi %mul3A : vector<128x64xf32> to vector<128x64xi32>
    %add3A = arith.constant 1 : i32
    %add3A_13 = vector.broadcast %add3A : i32 to vector<128x64xi32>
    %add3A_14 = arith.addi %convert_element_type3A_12, %add3A_13 : vector<128x64xi32>
    %iota3A_15 = tpu.iota {dimensions = array<i32: 2>} : vector<128x64x128xi32>
    %broadcast_in_dim3A = vector.shape_cast %add3A_14 : vector<128x64xi32> to vector<128x64x1xi32>
    %eq3A = vector.broadcast %broadcast_in_dim3A : vector<128x64x1xi32> to vector<128x64x128xi32>
    %eq3A_16 = arith.cmpi eq, %eq3A, %iota3A_15 : vector<128x64x128xi32>
    %convert_element_type3A_17 = arith.extui %eq3A_16 : vector<128x64x128xi1> to vector<128x64x128xi32>
    %convert_element_type3A_18 = arith.sitofp %convert_element_type3A_17 : vector<128x64x128xi32> to vector<128x64x128xf32>
    %reshape3A_19 = vector.shape_cast %convert_element_type3A_18 : vector<128x64x128xf32> to vector<8192x128xf32>
    %get3A_20 = arith.constant 0 : index
    %get3A_21 = arith.constant 0 : index
    %get3A_22 = vector.load %arg3[%get3A_20, %get3A_21] : memref<128x64xf32, #tpu.memory_space<vmem>>, vector<128x64xf32>
    %dot_general3A_23 = arith.constant dense<0.000000e+00> : vector<8192x64xf32>
    %dot_general3A_24 = tpu.matmul %reshape3A_19, %get3A_22, %dot_general3A_23 {dimension_numbers = #tpu.dot_dimension_numbers<[1], [0], [0], [1], [0, 0, 1, 1], [], []>, transpose_lhs_hint = false} : vector<8192x128xf32>, vector<128x64xf32>, vector<8192x64xf32> -> vector<8192x64xf32>
    %reshape3A_25 = vector.shape_cast %dot_general3A_24 : vector<8192x64xf32> to vector<128x64x64xf32>
    %add3A_26 = arith.addf %slice3A, %reshape3A_25 : vector<128x64x64xf32>
    %iota3A_27 = tpu.iota {dimensions = array<i32: 0>} : vector<128x32xi32>
    %jit3A = arith.constant 16 : i32
    %eq3A_28 = arith.constant 0 : i32
    %eq3A_29 = arith.cmpi eq, %jit3A, %eq3A_28 : i32
    %jit3A_30 = arith.constant 1 : i32
    %select_n3A = arith.select %eq3A_29, %jit3A_30, %jit3A : i32
    %rem3A = vector.broadcast %select_n3A : i32 to vector<128x32xi32>
    %rem3A_31 = arith.remsi %iota3A_27, %rem3A : vector<128x32xi32>
    %ne3A_32 = arith.constant 0 : i32
    %ne3A_33 = vector.broadcast %ne3A_32 : i32 to vector<128x32xi32>
    %ne3A_34 = arith.cmpi ne, %rem3A_31, %ne3A_33 : vector<128x32xi32>
    %lt3A = arith.constant 0 : i32
    %lt3A_35 = vector.broadcast %lt3A : i32 to vector<128x32xi32>
    %lt3A_36 = arith.cmpi slt, %rem3A_31, %lt3A_35 : vector<128x32xi32>
    %lt3A_37 = arith.constant 0 : i32
    %lt3A_38 = arith.cmpi slt, %select_n3A, %lt3A_37 : i32
    %ne3A_39 = vector.broadcast %lt3A_38 : i1 to vector<128x32xi1>
    %ne3A_40 = vector.broadcast %ne3A_39 : vector<128x32xi1> to vector<128x32xi1>
    %ne3A_41 = arith.xori %lt3A_36, %ne3A_40 : vector<128x32xi1>
    %and3A = arith.andi %ne3A_41, %ne3A_34 : vector<128x32xi1>
    %add3A_42 = vector.broadcast %select_n3A : i32 to vector<128x32xi32>
    %add3A_43 = arith.addi %rem3A_31, %add3A_42 : vector<128x32xi32>
    %select_n3A_44 = arith.select %and3A, %add3A_43, %rem3A_31 : vector<128x32xi1>, vector<128x32xi32>
    %iota3A_45 = tpu.iota {dimensions = array<i32: 1>} : vector<128x32xi32>
    %eq3A_46 = arith.cmpi eq, %select_n3A_44, %iota3A_45 : vector<128x32xi32>
    %convert_element_type3A_47 = arith.extui %eq3A_46 : vector<128x32xi1> to vector<128x32xi32>
    %convert_element_type3A_48 = arith.sitofp %convert_element_type3A_47 : vector<128x32xi32> to vector<128x32xf32>
    %get3A_49 = arith.constant 0 : index
    %get3A_50 = arith.constant 0 : index
    %get3A_51 = vector.load %arg4[%get3A_49, %get3A_50] : memref<32x64xf32, #tpu.memory_space<vmem>>, vector<32x64xf32>
    %dot_general3A_52 = arith.constant dense<0.000000e+00> : vector<128x64xf32>
    %dot_general3A_53 = tpu.matmul %convert_element_type3A_48, %get3A_51, %dot_general3A_52 {dimension_numbers = #tpu.dot_dimension_numbers<[1], [0], [0], [1], [0, 0, 1, 1], [], []>, transpose_lhs_hint = false} : vector<128x32xf32>, vector<32x64xf32>, vector<128x64xf32> -> vector<128x64xf32>
    %iota3A_54 = tpu.iota {dimensions = array<i32: 1>} : vector<128x64x64xi32>
    %eq3A_55 = arith.constant 1 : i32
    %eq3A_56 = vector.broadcast %eq3A_55 : i32 to vector<128x64x64xi32>
    %eq3A_57 = arith.cmpi eq, %iota3A_54, %eq3A_56 : vector<128x64x64xi32>
    %convert_element_type3A_58 = arith.extui %eq3A_57 : vector<128x64x64xi1> to vector<128x64x64xi32>
    %convert_element_type3A_59 = arith.sitofp %convert_element_type3A_58 : vector<128x64x64xi32> to vector<128x64x64xf32>
    %broadcast_in_dim3A_60 = vector.shape_cast %dot_general3A_53 : vector<128x64xf32> to vector<128x1x64xf32>
    %mul3A_61 = vector.broadcast %broadcast_in_dim3A_60 : vector<128x1x64xf32> to vector<128x64x64xf32>
    %mul3A_62 = arith.mulf %mul3A_61, %convert_element_type3A_59 : vector<128x64x64xf32>
    %add3A_63 = arith.addf %add3A_26, %mul3A_62 : vector<128x64x64xf32>
    %reduce_sum3A = arith.constant dense<0.000000e+00> : vector<128x64xf32>
    %reduce_sum3A_64 = vector.multi_reduction <add>, %add3A_63, %reduce_sum3A [2] : vector<128x64x64xf32> to vector<128x64xf32>
    %broadcast_in_dim3A_65 = vector.shape_cast %reduce_sum3A_64 : vector<128x64xf32> to vector<128x64x1xf32>
    %div3A = arith.constant 6.400000e+01 : f32
    %div3A_66 = vector.broadcast %div3A : f32 to vector<128x64x1xf32>
    %div3A_67 = arith.divf %broadcast_in_dim3A_65, %div3A_66 : vector<128x64x1xf32>
    %sub3A = vector.broadcast %div3A_67 : vector<128x64x1xf32> to vector<128x64x64xf32>
    %sub3A_68 = arith.subf %add3A_63, %sub3A : vector<128x64x64xf32>
    %mul3A_69 = arith.mulf %sub3A_68, %sub3A_68 : vector<128x64x64xf32>
    %reduce_sum3A_70 = arith.constant dense<0.000000e+00> : vector<128x64xf32>
    %reduce_sum3A_71 = vector.multi_reduction <add>, %mul3A_69, %reduce_sum3A_70 [2] : vector<128x64x64xf32> to vector<128x64xf32>
    %broadcast_in_dim3A_72 = vector.shape_cast %reduce_sum3A_71 : vector<128x64xf32> to vector<128x64x1xf32>
    %div3A_73 = arith.constant 6.400000e+01 : f32
    %div3A_74 = vector.broadcast %div3A_73 : f32 to vector<128x64x1xf32>
    %div3A_75 = arith.divf %broadcast_in_dim3A_72, %div3A_74 : vector<128x64x1xf32>
    %add3A_76 = arith.constant 9.99999996E-13 : f32
    %add3A_77 = vector.broadcast %add3A_76 : f32 to vector<128x64x1xf32>
    %add3A_78 = arith.addf %div3A_75, %add3A_77 : vector<128x64x1xf32>
    %rsqrt3A = math.rsqrt %add3A_78 : vector<128x64x1xf32>
    %mul3A_79 = vector.broadcast %rsqrt3A : vector<128x64x1xf32> to vector<128x64x64xf32>
    %mul3A_80 = arith.mulf %sub3A_68, %mul3A_79 : vector<128x64x64xf32>
    %get3A_81 = arith.constant 0 : index
    %get3A_82 = arith.constant 0 : index
    %get3A_83 = vector.load %arg5[%get3A_81, %get3A_82] : memref<1x64xf32, #tpu.memory_space<vmem>>, vector<1x64xf32>
    %broadcast_in_dim3A_84 = vector.shape_cast %get3A_83 : vector<1x64xf32> to vector<1x1x64xf32>
    %mul3A_85 = vector.broadcast %broadcast_in_dim3A_84 : vector<1x1x64xf32> to vector<128x64x64xf32>
    %mul3A_86 = arith.mulf %mul3A_80, %mul3A_85 : vector<128x64x64xf32>
    %get3A_87 = arith.constant 0 : index
    %get3A_88 = arith.constant 0 : index
    %get3A_89 = vector.load %arg6[%get3A_87, %get3A_88] : memref<1x64xf32, #tpu.memory_space<vmem>>, vector<1x64xf32>
    %broadcast_in_dim3A_90 = vector.shape_cast %get3A_89 : vector<1x64xf32> to vector<1x1x64xf32>
    %add3A_91 = vector.broadcast %broadcast_in_dim3A_90 : vector<1x1x64xf32> to vector<128x64x64xf32>
    %add3A_92 = arith.addf %mul3A_86, %add3A_91 : vector<128x64x64xf32>
    %swap3A = arith.constant 0 : index
    %swap3A_93 = arith.constant 0 : index
    %swap3A_94 = arith.constant 0 : index
    %swap3A_95 = vector.load %arg7[%swap3A, %swap3A_93, %swap3A_94] : memref<128x64x64xf32, #tpu.memory_space<vmem>>, vector<128x64x64xf32>
    tpu.vector_store %arg7[%swap3A, %swap3A_93, %swap3A_94], %add3A_92 {strides = array<i32>} : memref<128x64x64xf32, #tpu.memory_space<vmem>>, vector<128x64x64xf32>,
    return
  }
  func.func @transform_0(%arg0: i32) -> (i32, i32) {
    %c0_i32 = arith.constant 0 : i32
    %c0_i32_0 = arith.constant 0 : i32
    return %arg0, %c0_i32 : i32, i32
  }
  func.func @transform_1(%arg0: i32) -> (i32, i32) {
    %c0_i32 = arith.constant 0 : i32
    %c0_i32_0 = arith.constant 0 : i32
    return %arg0, %c0_i32 : i32, i32
  }
  func.func @transform_2(%arg0: i32) -> (i32, i32) {
    %c0_i32 = arith.constant 0 : i32
    %c0_i32_0 = arith.constant 0 : i32
    %c0_i32_1 = arith.constant 0 : i32
    return %c0_i32, %c0_i32_0 : i32, i32
  }
  func.func @transform_3(%arg0: i32) -> (i32, i32) {
    %c0_i32 = arith.constant 0 : i32
    %c0_i32_0 = arith.constant 0 : i32
    %c0_i32_1 = arith.constant 0 : i32
    return %c0_i32, %c0_i32_0 : i32, i32
  }
  func.func @transform_4(%arg0: i32) -> (i32, i32) {
    %c0_i32 = arith.constant 0 : i32
    %c0_i32_0 = arith.constant 0 : i32
    %c0_i32_1 = arith.constant 0 : i32
    return %c0_i32, %c0_i32_0 : i32, i32
  }
  func.func @transform_5(%arg0: i32) -> (i32, i32) {
    %c0_i32 = arith.constant 0 : i32
    %c0_i32_0 = arith.constant 0 : i32
    %c0_i32_1 = arith.constant 0 : i32
    return %c0_i32, %c0_i32_0 : i32, i32
  }
  func.func @transform_6(%arg0: i32) -> (i32, i32, i32) {
    %c0_i32 = arith.constant 0 : i32
    %c0_i32_0 = arith.constant 0 : i32
    %c0_i32_1 = arith.constant 0 : i32
    return %arg0, %c0_i32, %c0_i32_0 : i32, i32, i32
  }
}

</mosaic_0001>

<sc_bundles>
// kernel: kernel.4.cloned.1.call-start
scs
__scs_entry_jumppad:
0x0: {  	(pc) =	sbr.rel $0x88, $3  }
0x1: {  	(tag) =	ssettag $0x0;
	lr =	simm.s32 $0x1  }
0x2: {  	[smem:$0x3F9B] =	sst lr;
	_ =	strace $0xD0000000  }
0x3: {  	_ = 	snop  }
0x4: {  	_ = 	snop  }
0x5: {  	_ = 	snop  }
0x6: {  	_ = 	snop  }
0x7: {  	_ = 	snop  }
__scs_overlays_trampoline_lowered:
0x8: {  	[smem:$0x3FAA] =	sst s0  }
0x9: {  	[smem:$0x3FAB] =	sst s1  }
0xa: {  	[smem:$0x3FAC] =	sst s2  }
0xb: {  	[smem:$0x3FAD] =	sst s3  }
0xc: {  	[smem:$0x3FAE] =	sst s4  }
0xd: {  	[smem:$0x3FAF] =	sst s5  }
0xe: {  	[smem:$0x3FB0] =	sst s6  }
0xf: {  	[smem:$0x3FB1] =	sst s7  }
0x10: {  	[smem:$0x3FB2] =	sst s8  }
0x11: {  	[smem:$0x3FB3] =	sst s9;
	s0 =	simm.s32 @!p0 $0x0  }
0x12: {  	s1 =	sld [smem:$0x3F99];
	s0 =	simm.s32 @p0 $0x1  }
0x13: {  	[smem:$0x3FB4] =	sst s0;
	s0 =	simm.s32 @!p1 $0x0  }
0x14: {  	s2 =	sld [smem:$0x3F98];
	s0 =	simm.s32 @p1 $0x1  }
0x15: {  	[smem:$0x3FB5] =	sst s0;
	s0 =	simm.s32 @!p2 $0x0  }
0x16: {  	s3 =	sld [smem:$0x3FDB];
	s0 =	simm.s32 @p2 $0x1  }
0x17: {  	s4 =	simm.s32 $0x1BF5;
	[smem:$0x3FB7] =	sst s0  }
0x18: {  	s0 =	sld [smem:$0x3F9A];
	_ =	swait.ge [sflag:s4], $0x0  }
0x19: {  	s7 =	sld [smem:$0x3F9B]  }
0x1a: {  	s8 =	sadd.s32 $0xFFFFE003, lr  }
0x1b: {  	s9 =	sadd.s32 $0xFFFFFEF7, lr;
	s5 =	simm.s32 $0xFFFFFFFF;
	p2 =	slt.u32 s8, $0xFFFFF086  }
0x1c: {  	p1 =	slt.u32 s9, $0xF7A;
	s5 =	simm.s32 @!p2 $0x0  }
0x1d: {  	s5 =	simm.s32 @p1 $0x1;
	p0 =	seq.s32 s7, s2  }
0x1e: {  	s7 =	smul.u32 @!p0 $0xF7A, s2;
	p2 =	seq.s32 @!p0 s5, $0x0  }
0x1f: {  	s9 =	smul.u32 $0xF7A, s1;
	s8 =	simm.s32 @!p0 $0x1BF5;
	p2 =	por !p2, p0  }
0x20: {  	[sflag:s8] =	ssyncset.s32 @!p0 $0xFFFFF086;
	s6 =	sadd.s32 @!p0 s3, s7;
	s7 =	simm.s32 @!p0 $0x108  }
0x21: {  	s3 =	sadd.s32 s3, s9;
	s6 =	sadd.s32 @!p0 $0x88, s6;
	s7 =	simm.s32 @p2 $0x1082  }
0x22: {  	[simem:s7], [sflag:s8] =	dma.local @!p0 [hbm:s6], $0xF7A  }
0x23: {  	s9 =	sor.u32 $0xD0000000, s2;
	s6 =	simm.s32 $0x108;
	_ =	swait.ge @!p0 [sflag:s8], $0x0  }
0x24: {  	s3 =	sadd.s32 $0x88, s3;
	s6 =	simm.s32 @!p1 $0x1082;
	[sflag:s4] =	ssyncset.s32 $0xFFFFF086  }
0x25: {  	[simem:s6], [sflag:s4] =	dma.local [hbm:s3], $0xF7A  }
0x26: {  	[smem:$0x3F9B] =	sst s1;
	(tag) =	ssettag s2;
	_ =	strace s9  }
0x27: {  	s1 =	sld [smem:$0x3FAB]  }
0x28: {  	s2 =	sld [smem:$0x3FAC]  }
0x29: {  	s4 =	sld [smem:$0x3FAE]  }
0x2a: {  	p0 =	seq.s32 s5, $0x0;
	s5 =	sld [smem:$0x3FAF]  }
0x2b: {  	s6 =	sld [smem:$0x3FB0]  }
0x2c: {  	s7 =	sld [smem:$0x3FB1]  }
0x2d: {  	s3 =	simm.s32 $0x108;
	s8 =	sld [smem:$0x3FB2]  }
0x2e: {  	s3 =	simm.s32 @!p0 $0x1082;
	s9 =	sld [smem:$0x3FB3]  }
0x2f: {  	lr =	sadd.s32 s0, s3;
	s0 =	sld [smem:$0x3FAA]  }
0x30: {  	s3 =	sld [smem:$0x3FAD]  }
0x31: {  	[smem:$0x3FB6] =	sst s10  }
0x32: {  	s10 =	sld [smem:$0x3FB4];
	_ =	sdelay $0x3  }
0x33: {  	p0 =	seq.s32 s10, $0x1;
	s10 =	sld [smem:$0x3FB6];
	_ =	sdelay $0x3  }
0x34: {  	[smem:$0x3FB6] =	sst s10  }
0x35: {  	s10 =	sld [smem:$0x3FB5];
	_ =	sdelay $0x3  }
0x36: {  	p1 =	seq.s32 s10, $0x1;
	s10 =	sld [smem:$0x3FB6];
	_ =	sdelay $0x3  }
0x37: {  	[smem:$0x3FB6] =	sst s10  }
0x38: {  	s10 =	sld [smem:$0x3FB7]  }
0x39: {  	_ = 	snop;
	(pc) =	sbr.ind lr, $3  }
0x3a: {  	_ = 	snop  }
0x3b: {  	_ = 	snop  }
0x3c: {  	p2 =	seq.s32 s10, $0x1;
	s10 =	sld [smem:$0x3FB6]  }
0x3d: {  	_ =	shalt  }
0x3e: {  	_ =	shalt  }
0x3f: {  	_ =	shalt  }
0x40: {  	_ =	shalt  }
0x41: {  	_ =	shalt  }
0x42: {  	_ =	shalt  }
0x43: {  	_ =	shalt  }
0x44: {  	_ =	shalt  }
0x45: {  	_ =	shalt  }
0x46: {  	_ =	shalt  }
0x47: {  	_ =	shalt  }
0x48: {  	_ =	shalt  }
0x49: {  	_ =	shalt  }
0x4a: {  	_ =	shalt  }
0x4b: {  	_ =	shalt  }
0x4c: {  	_ =	shalt  }
0x4d: {  	_ =	shalt  }
0x4e: {  	_ =	shalt  }
0x4f: {  	_ =	shalt  }
0x50: {  	_ =	shalt  }
0x51: {  	_ =	shalt  }
0x52: {  	_ =	shalt  }
0x53: {  	_ =	shalt  }
0x54: {  	_ =	shalt  }
0x55: {  	_ =	shalt  }
0x56: {  	_ =	shalt  }
0x57: {  	_ =	shalt  }
0x58: {  	_ =	shalt  }
0x59: {  	_ =	shalt  }
0x5a: {  	_ =	shalt  }
0x5b: {  	_ =	shalt  }
0x5c: {  	_ =	shalt  }
0x5d: {  	_ =	shalt  }
0x5e: {  	_ =	shalt  }
0x5f: {  	_ =	shalt  }
0x60: {  	_ =	shalt  }
0x61: {  	_ =	shalt  }
0x62: {  	_ =	shalt  }
0x63: {  	_ =	shalt  }
0x64: {  	_ =	shalt  }
0x65: {  	_ =	shalt  }
0x66: {  	_ =	shalt  }
0x67: {  	_ =	shalt  }
0x68: {  	_ =	shalt  }
0x69: {  	_ =	shalt  }
0x6a: {  	_ =	shalt  }
0x6b: {  	_ =	shalt  }
0x6c: {  	_ =	shalt  }
0x6d: {  	_ =	shalt  }
0x6e: {  	_ =	shalt  }
0x6f: {  	_ =	shalt  }
0x70: {  	_ =	shalt  }
0x71: {  	_ =	shalt  }
0x72: {  	_ =	shalt  }
0x73: {  	_ =	shalt  }
0x74: {  	_ =	shalt  }
0x75: {  	_ =	shalt  }
0x76: {  	_ =	shalt  }
0x77: {  	_ =	shalt  }
0x78: {  	_ =	shalt  }
0x79: {  	_ =	shalt  }
0x7a: {  	_ =	shalt  }
0x7b: {  	_ =	shalt  }
0x7c: {  	_ =	shalt  }
0x7d: {  	_ =	shalt  }
0x7e: {  	_ =	shalt  }
0x7f: {  	_ =	shalt  }
0x80: {  	_ =	shalt  }
0x81: {  	_ =	shalt  }
0x82: {  	_ =	shalt  }
0x83: {  	_ =	shalt  }
0x84: {  	_ =	shalt  }
0x85: {  	_ =	shalt  }
0x86: {  	_ =	shalt  }
0x87: {  	_ =	shalt  }
.Lfunc_end0:
.L_simem_size_0:
called_computation_lowered:
.L_overlay_start_0:
0x88: {  	s2 =	sld [smem:$0x3FD9]  }
0x89: {  	s3 =	sld [smem:$0x3FFE];
	_ =	sdelay $0x1  }
0x8a: {  	s1 =	srdreg.scid  }
0x8b: {  	s0 =	sand.u32 $0x1, s1  }
0x8c: {  	s16 =	sshll.u32 s0, $0xA;
	s2 =	sadd.s32 s3, s2  }
0x8d: {  	s2 =	sadd.s32 s2, s16  }
0x8e: {  	[smem:$0x3FC2] =	sst s2  }
0x8f: {  	_ = 	snop  }
0x90: {  	(tm) =	ssettm $0x1  }
0x91: {  	s17 =	sld [smem:$0x3FFB];
	_ =	sdelay $0x3  }
0x92: {  	_ =	strace s17  }
0x93: {  	s2 =	sld [smem:$0x3FFC];
	_ =	sdelay $0x3  }
0x94: {  	_ =	strace s2  }
0x95: {  	s2 =	sld [smem:$0x3FFD];
	_ =	sdelay $0x3  }
0x96: {  	_ =	strace s2  }
0x97: {  	_ =	strace $0x8FFFFFFF  }
0x98: {  	s18 =	sld [smem:$0x3FDB];
	_ =	sdelay $0x1  }
0x99: {  	s19 =	simm.s32 $_scs_section_size  }
0x9a: {  	s4 =	simm.s32 $_size__tile_overlayer_lowered;
	s5 =	simm.s32 $_tile_overlayer_lowered  }
0x9b: {  	s22 =	simm.s32 $0x1BFF;
	s21 =	sshll.u32 s5, $0x1;
	s2 =	sadd.s32 s19, s18  }
0x9c: {  	s6 =	simm.s32 $0x0;
	s20 =	sshll.u32 s4, $0x1;
	s4 =	sadd.s32 s21, s2  }
0x9d: {  	[timem:s6], [sflag:s22] =	dma.local [hbm:s4], s20  }
0x9e: {  	_ =	swait.ge [sflag:s22], s20  }
0x9f: {  	s3 =	ssub.s32 $0x0, s20;
	[sflag:s22] =	ssyncset.done $0x0  }
0xa0: {  	[sflag:s22] =	ssyncadd.s32 s3;
	_ =	sdelay $0x1  }
0xa1: {  	s23 =	simm.s32 $0x1B8B  }
0xa2: {  	_ =	swait.ge [sflag:s23], $0x1  }
0xa3: {  	[sflag:s23] =	ssyncset.done $0x0  }
0xa4: {  	s25 =	simm.s32 $0x1B8E;
	s24 =	sld [smem:$0x3FFE];
	[sflag:s23] =	ssyncadd.s32 $0xFFFFFFFF  }
0xa5: {  	s26 =	simm.s32 $execute0_lowered;
	[smem:$0x3FD2] =	sst s25  }
0xa6: {  	s4 =	sshll.u32 s26, $0x1;
	_ =	strace $0x80000046;
	[dreg:$0x1] =	wrdreg $0xFFFFFFFF  }
0xa7: {  	s28 =	simm.s32 $_size_execute0_lowered;
	s2 =	sadd.s32 s2, s4;
	[dreg:$0x0] =	wrdreg $0x0  }
0xa8: {  	s4 =	sshll.u32 s28, $0x1;
	[dreg:$0x2] =	wrdreg s2  }
0xa9: {  	[dreg:$0x3] =	wrdreg s4  }
0xaa: {  	[dreg:$0x4] =	wrdreg $0xC0  }
0xab: {  	_ =	task [dreg:s6], $0x5FFFF  }
0xac: {  	[dreg:$0x1] =	wrdreg $0xFFFFFFFF  }
0xad: {  	[dreg:$0x0] =	wrdreg $0x60  }
0xae: {  	[dreg:$0x2] =	wrdreg s24  }
0xaf: {  	[dreg:$0x3] =	wrdreg $0x9  }
0xb0: {  	_ =	task.clear_ibuf [dreg:s6], $0x4FFFF;
	_ =	strace $0x90000046  }
0xb1: {  	s29 =	simm.s32 $0x9;
	_ =	strace $0x80000048  }
0xb2: {  	_ =	swait.ge [sflag:s29], $0x1  }
0xb3: {  	[sflag:s29] =	ssyncadd.s32 $0xFFFFFFFF  }
0xb4: {  	_ =	strace $0x90000048  }
0xb5: {  	_ =	sfence  }
0xb6: {  	s30 =	sld [smem:$0x0];
	_ =	sdelay $0x2  }
0xb7: {  	s31 =	sshll.u32 s1, $0xD;
	s1 =	sshrl.u32 s1, $0x2  }
0xb8: {  	s3 =	sand.u32 $0x4000, s31;
	s1 =	sadd.s32 s1, s30  }
0xb9: {  	s0 =	sor.u32 s3, s0;
	s1 =	sshll.u32 s1, $0x11  }
0xba: {  	s0 =	sor.u32 s1, s0  }
0xbb: {  	s0 =	sadd.s32 $0x8F2B, s0  }
0xbc: {  	[sflag:s0] =	ssyncadd.remote.s32 $0x1  }
0xbd: {  	_ =	sfence.sel $0xFFFF  }
0xbe: {  	[dreg:$0x0] =	wrdreg $0xFFFFFFFF;
	(pc) =	sbr.abs _section_cstart, $3  }
0xbf: {  	[dreg:$0x1] =	wrdreg $0xFFFFFFFF  }
0xc0: {  	_ =	task.clear_ibuf [dreg:s6], $0x2FFFF;
	_ =	strace $0x9FFFFFFF  }
0xc1: {  	(tm) =	ssettm $0x7FFFFFFF  }
tec
execute0_lowered:
.L_overlay_start_1:
0x0: {  	(tag) =	ssettag $0x1  }
0x1: {  	s1 =	srdreg.scid;
	s0 =	stileid.u32  }
0x2: {  	s30 =	sand.u32 $0x1, s1;
	s26 =	sshll.u32 s0, $0x1  }
0x3: {  	s15 =	sor.u32 s30, s26  }
0x4: {  	s14 =	rddreg [dreg:$0x0];
	s2 =	simm.s32 $0x0;
	s3 =	sshll.u32 s15, $0x8  }
0x5: {  	[smem:$0x7FF] =	sst s2;
	s3 =	sadd.s32 s3, s14  }
0x6: {  	_ =	strace $0x80000047;
	s4 =	sadd.s32 $0xF43400, s3;
	s3 =	simm.s32 $0x2  }
0x7: {  	[tilespmem:s2], [sflag:$0x2] =	stream.linear.gather [hbm4b:s4+s2], $0x800, $0x38;
	[tilespmem:$0x10800] =	vst v63  }
0x8: {  	_ =	swait.ge [sflag:s3], $0x800  }
0x9: {  	s6 =	simm.s32 $0x80;
	[sflag:s3] =	ssyncset.done $0x0  }
0xa: {  	s7 =	simm.s32 $0x800;
	s5 =	sadd.s32 $0xF45400, s14;
	[sflag:s3] =	ssyncadd.s32 $0xFFFFF800  }
0xb: {  	[tilespmem:s7], [sflag:$0x1] =	stream.indirect.gather [hbm4b:s5+s6], $0x80, s2, s6, $0xb8;
	[tilespmem:$0x10800] =	vst v63  }
0xc: {  	s8 =	simm.s32 $0x4800  }
0xd: {  	[tilespmem:s8], [sflag:$0x1] =	stream.indirect.gather [hbm4b:s5+s6], $0x80, s6, s6, $0xb8;
	[tilespmem:$0x10800] =	vst v63  }
0xe: {  	s9 =	simm.s32 $0x100;
	s10 =	simm.s32 $0x8800  }
0xf: {  	[tilespmem:s10], [sflag:$0x1] =	stream.indirect.gather [hbm4b:s5+s6], $0x80, s9, s6, $0xb8;
	[tilespmem:$0x10800] =	vst v63  }
0x10: {  	s11 =	simm.s32 $0x180;
	s12 =	simm.s32 $0xC800;
	s13 =	simm.s32 $0x1  }
0x11: {  	[tilespmem:s12], [sflag:$0x1] =	stream.indirect.gather [hbm4b:s5+s6], $0x80, s11, s6, $0xb8;
	[tilespmem:$0x10800] =	vst v63  }
0x12: {  	_ =	swait.ge [sflag:s13], $0x4000  }
0x13: {  	[sflag:s13] =	ssyncset.done $0x0  }
0x14: {  	[sflag:s13] =	ssyncadd.s32 $0xFFFFC000  }
0x15: {  	_ =	swait.ge [sflag:s13], $0x4000  }
0x16: {  	[sflag:s13] =	ssyncset.done $0x0  }
0x17: {  	[sflag:s13] =	ssyncadd.s32 $0xFFFFC000  }
0x18: {  	_ =	swait.ge [sflag:s13], $0x4000  }
0x19: {  	[sflag:s13] =	ssyncset.done $0x0  }
0x1a: {  	[sflag:s13] =	ssyncadd.s32 $0xFFFFC000  }
0x1b: {  	s15 =	sshll.u32 s15, $0xF;
	_ =	swait.ge [sflag:s13], $0x4000  }
0x1c: {  	s31 =	sadd.s32 s15, s14;
	[sflag:s13] =	ssyncset.done $0x0  }
0x1d: {  	s14 =	sadd.s32 $0x1000, s31;
	[sflag:s13] =	ssyncadd.s32 $0xFFFFC000  }
0x1e: {  	[hbm4b:s14+s2] =	stream.linear.scatter [tilespmem:s7], [sflag:$0x2], $0x10000, $0x38;
	[tilespmem:$0x10800] =	vst v63  }
0x1f: {  	_ =	swait.ge [sflag:s3], $0x10000  }
0x20: {  	[sflag:s3] =	ssyncset.done $0x0  }
0x21: {  	s15 =	simm.s32 $0x200;
	[sflag:s3] =	ssyncadd.s32 $0xFFFF0000  }
0x22: {  	[tilespmem:s7], [sflag:$0x1] =	stream.indirect.gather [hbm4b:s5+s6], $0x80, s15, s6, $0xb8;
	[tilespmem:$0x10800] =	vst v63  }
0x23: {  	s16 =	simm.s32 $0x280  }
0x24: {  	[tilespmem:s8], [sflag:$0x1] =	stream.indirect.gather [hbm4b:s5+s6], $0x80, s16, s6, $0xb8;
	[tilespmem:$0x10800] =	vst v63  }
0x25: {  	s17 =	simm.s32 $0x300  }
0x26: {  	[tilespmem:s10], [sflag:$0x1] =	stream.indirect.gather [hbm4b:s5+s6], $0x80, s17, s6, $0xb8;
	[tilespmem:$0x10800] =	vst v63  }
0x27: {  	s18 =	simm.s32 $0x380  }
0x28: {  	[tilespmem:s12], [sflag:$0x1] =	stream.indirect.gather [hbm4b:s5+s6], $0x80, s18, s6, $0xb8;
	[tilespmem:$0x10800] =	vst v63  }
0x29: {  	_ =	swait.ge [sflag:s13], $0x4000  }
0x2a: {  	[sflag:s13] =	ssyncset.done $0x0  }
0x2b: {  	[sflag:s13] =	ssyncadd.s32 $0xFFFFC000  }
0x2c: {  	_ =	swait.ge [sflag:s13], $0x4000  }
0x2d: {  	[sflag:s13] =	ssyncset.done $0x0  }
0x2e: {  	[sflag:s13] =	ssyncadd.s32 $0xFFFFC000  }
0x2f: {  	_ =	swait.ge [sflag:s13], $0x4000  }
0x30: {  	[sflag:s13] =	ssyncset.done $0x0  }
0x31: {  	[sflag:s13] =	ssyncadd.s32 $0xFFFFC000  }
0x32: {  	_ =	swait.ge [sflag:s13], $0x4000  }
0x33: {  	[sflag:s13] =	ssyncset.done $0x0  }
0x34: {  	s19 =	sadd.s32 $0x3000, s31;
	[sflag:s13] =	ssyncadd.s32 $0xFFFFC000  }
0x35: {  	[hbm4b:s19+s2] =	stream.linear.scatter [tilespmem:s7], [sflag:$0x2], $0x10000, $0x38;
	[tilespmem:$0x10800] =	vst v63  }
0x36: {  	_ =	swait.ge [sflag:s3], $0x10000  }
0x37: {  	[sflag:s3] =	ssyncset.done $0x0  }
0x38: {  	s20 =	simm.s32 $0x400;
	[sflag:s3] =	ssyncadd.s32 $0xFFFF0000  }
0x39: {  	[tilespmem:s7], [sflag:$0x1] =	stream.indirect.gather [hbm4b:s5+s6], $0x80, s20, s6, $0xb8;
	[tilespmem:$0x10800] =	vst v63  }
0x3a: {  	s21 =	simm.s32 $0x480  }
0x3b: {  	[tilespmem:s8], [sflag:$0x1] =	stream.indirect.gather [hbm4b:s5+s6], $0x80, s21, s6, $0xb8;
	[tilespmem:$0x10800] =	vst v63  }
0x3c: {  	s22 =	simm.s32 $0x500  }
0x3d: {  	[tilespmem:s10], [sflag:$0x1] =	stream.indirect.gather [hbm4b:s5+s6], $0x80, s22, s6, $0xb8;
	[tilespmem:$0x10800] =	vst v63  }
0x3e: {  	s23 =	simm.s32 $0x580  }
0x3f: {  	[tilespmem:s12], [sflag:$0x1] =	stream.indirect.gather [hbm4b:s5+s6], $0x80, s23, s6, $0xb8;
	[tilespmem:$0x10800] =	vst v63  }
0x40: {  	_ =	swait.ge [sflag:s13], $0x4000  }
0x41: {  	[sflag:s13] =	ssyncset.done $0x0  }
0x42: {  	[sflag:s13] =	ssyncadd.s32 $0xFFFFC000  }
0x43: {  	_ =	swait.ge [sflag:s13], $0x4000  }
0x44: {  	[sflag:s13] =	ssyncset.done $0x0  }
0x45: {  	[sflag:s13] =	ssyncadd.s32 $0xFFFFC000  }
0x46: {  	_ =	swait.ge [sflag:s13], $0x4000  }
0x47: {  	[sflag:s13] =	ssyncset.done $0x0  }
0x48: {  	[sflag:s13] =	ssyncadd.s32 $0xFFFFC000  }
0x49: {  	_ =	swait.ge [sflag:s13], $0x4000  }
0x4a: {  	[sflag:s13] =	ssyncset.done $0x0  }
0x4b: {  	s24 =	sadd.s32 $0x5000, s31;
	[sflag:s13] =	ssyncadd.s32 $0xFFFFC000  }
0x4c: {  	[hbm4b:s24+s2] =	stream.linear.scatter [tilespmem:s7], [sflag:$0x2], $0x10000, $0x38;
	[tilespmem:$0x10800] =	vst v63  }
0x4d: {  	_ =	swait.ge [sflag:s3], $0x10000  }
0x4e: {  	[sflag:s3] =	ssyncset.done $0x0  }
0x4f: {  	s25 =	simm.s32 $0x600;
	[sflag:s3] =	ssyncadd.s32 $0xFFFF0000  }
0x50: {  	[tilespmem:s7], [sflag:$0x1] =	stream.indirect.gather [hbm4b:s5+s6], $0x80, s25, s6, $0xb8;
	[tilespmem:$0x10800] =	vst v63  }
0x51: {  	s26 =	simm.s32 $0x680  }
0x52: {  	[tilespmem:s8], [sflag:$0x1] =	stream.indirect.gather [hbm4b:s5+s6], $0x80, s26, s6, $0xb8;
	[tilespmem:$0x10800] =	vst v63  }
0x53: {  	s28 =	simm.s32 $0x700  }
0x54: {  	[tilespmem:s10], [sflag:$0x1] =	stream.indirect.gather [hbm4b:s5+s6], $0x80, s28, s6, $0xb8;
	[tilespmem:$0x10800] =	vst v63  }
0x55: {  	s29 =	simm.s32 $0x780  }
0x56: {  	[tilespmem:s12], [sflag:$0x1] =	stream.indirect.gather [hbm4b:s5+s6], $0x80, s29, s6, $0xb8;
	[tilespmem:$0x10800] =	vst v63  }
0x57: {  	_ =	swait.ge [sflag:s13], $0x4000  }
0x58: {  	[sflag:s13] =	ssyncset.done $0x0  }
0x59: {  	[sflag:s13] =	ssyncadd.s32 $0xFFFFC000  }
0x5a: {  	_ =	swait.ge [sflag:s13], $0x4000  }
0x5b: {  	[sflag:s13] =	ssyncset.done $0x0  }
0x5c: {  	s30 =	ssub.s32 $0x2, s30;
	[sflag:s13] =	ssyncadd.s32 $0xFFFFC000  }
0x5d: {  	s1 =	sshrl.u32 s30, $0x1;
	_ =	swait.ge [sflag:s13], $0x4000  }
0x5e: {  	s1 =	ssub.s32 s30, s1;
	[sflag:s13] =	ssyncset.done $0x0  }
0x5f: {  	s1 =	smax.u32 s1, $0x1;
	[sflag:s13] =	ssyncadd.s32 $0xFFFFC000  }
0x60: {  	p0 =	sne.s32 s1, $0x1;
	_ =	swait.ge [sflag:s13], $0x4000  }
.Ltmp0:
0x61: {  	[sflag:s13] =	ssyncset.done $0x0;
	(pc) =	sbr.rel @!p0 .LBB2_2-.Ltmp0, $4  }
0x62: {  	s30 =	sadd.s32 $0x7000, s31;
	[sflag:s13] =	ssyncadd.s32 $0xFFFFC000  }
0x63: {  	[hbm4b:s30+s2] =	stream.linear.scatter [tilespmem:s7], [sflag:$0x2], $0x10000, $0x38;
	[tilespmem:$0x10800] =	vst v63  }
0x64: {  	_ =	swait.ge [sflag:s3], $0x10000  }
0x65: {  	s31 =	sadd.s32 $0xFFFFFFFF, s1;
	[sflag:s3] =	ssyncset.done $0x0  }
.LBB2_1:
0x66: {  	p0 =	sne.s32 s31, $0x1;
	s31 =	sadd.s32 $0xFFFFFFFF, s31;
	[sflag:s3] =	ssyncadd.s32 $0xFFFF0000  }
0x67: {  	[tilespmem:s2], [sflag:$0x2] =	stream.linear.gather [hbm4b:s4+s2], $0x800, $0x38;
	[tilespmem:$0x10800] =	vst v63  }
0x68: {  	_ =	swait.ge [sflag:s3], $0x800  }
0x69: {  	[sflag:s3] =	ssyncset.done $0x0  }
0x6a: {  	[sflag:s3] =	ssyncadd.s32 $0xFFFFF800  }
0x6b: {  	[tilespmem:s7], [sflag:$0x1] =	stream.indirect.gather [hbm4b:s5+s6], $0x80, s2, s6, $0xb8;
	[tilespmem:$0x10800] =	vst v63  }
0x6c: {  	_ = 	snop  }
0x6d: {  	[tilespmem:s8], [sflag:$0x1] =	stream.indirect.gather [hbm4b:s5+s6], $0x80, s6, s6, $0xb8;
	[tilespmem:$0x10800] =	vst v63  }
0x6e: {  	_ = 	snop  }
0x6f: {  	[tilespmem:s10], [sflag:$0x1] =	stream.indirect.gather [hbm4b:s5+s6], $0x80, s9, s6, $0xb8;
	[tilespmem:$0x10800] =	vst v63  }
0x70: {  	_ = 	snop  }
0x71: {  	[tilespmem:s12], [sflag:$0x1] =	stream.indirect.gather [hbm4b:s5+s6], $0x80, s11, s6, $0xb8;
	[tilespmem:$0x10800] =	vst v63  }
0x72: {  	_ =	swait.ge [sflag:s13], $0x4000  }
0x73: {  	[sflag:s13] =	ssyncset.done $0x0  }
0x74: {  	[sflag:s13] =	ssyncadd.s32 $0xFFFFC000  }
0x75: {  	_ =	swait.ge [sflag:s13], $0x4000  }
0x76: {  	[sflag:s13] =	ssyncset.done $0x0  }
0x77: {  	[sflag:s13] =	ssyncadd.s32 $0xFFFFC000  }
0x78: {  	_ =	swait.ge [sflag:s13], $0x4000  }
0x79: {  	[sflag:s13] =	ssyncset.done $0x0  }
0x7a: {  	[sflag:s13] =	ssyncadd.s32 $0xFFFFC000  }
0x7b: {  	_ =	swait.ge [sflag:s13], $0x4000  }
0x7c: {  	[sflag:s13] =	ssyncset.done $0x0  }
0x7d: {  	[sflag:s13] =	ssyncadd.s32 $0xFFFFC000  }
0x7e: {  	[hbm4b:s14+s2] =	stream.linear.scatter [tilespmem:s7], [sflag:$0x2], $0x10000, $0x38;
	[tilespmem:$0x10800] =	vst v63  }
0x7f: {  	_ =	swait.ge [sflag:s3], $0x10000  }
0x80: {  	[sflag:s3] =	ssyncset.done $0x0  }
0x81: {  	[sflag:s3] =	ssyncadd.s32 $0xFFFF0000  }
0x82: {  	[tilespmem:s7], [sflag:$0x1] =	stream.indirect.gather [hbm4b:s5+s6], $0x80, s15, s6, $0xb8;
	[tilespmem:$0x10800] =	vst v63  }
0x83: {  	_ = 	snop  }
0x84: {  	[tilespmem:s8], [sflag:$0x1] =	stream.indirect.gather [hbm4b:s5+s6], $0x80, s16, s6, $0xb8;
	[tilespmem:$0x10800] =	vst v63  }
0x85: {  	_ = 	snop  }
0x86: {  	[tilespmem:s10], [sflag:$0x1] =	stream.indirect.gather [hbm4b:s5+s6], $0x80, s17, s6, $0xb8;
	[tilespmem:$0x10800] =	vst v63  }
0x87: {  	_ = 	snop  }
0x88: {  	[tilespmem:s12], [sflag:$0x1] =	stream.indirect.gather [hbm4b:s5+s6], $0x80, s18, s6, $0xb8;
	[tilespmem:$0x10800] =	vst v63  }
0x89: {  	_ =	swait.ge [sflag:s13], $0x4000  }
0x8a: {  	[sflag:s13] =	ssyncset.done $0x0  }
0x8b: {  	[sflag:s13] =	ssyncadd.s32 $0xFFFFC000  }
0x8c: {  	_ =	swait.ge [sflag:s13], $0x4000  }
0x8d: {  	[sflag:s13] =	ssyncset.done $0x0  }
0x8e: {  	[sflag:s13] =	ssyncadd.s32 $0xFFFFC000  }
0x8f: {  	_ =	swait.ge [sflag:s13], $0x4000  }
0x90: {  	[sflag:s13] =	ssyncset.done $0x0  }
0x91: {  	[sflag:s13] =	ssyncadd.s32 $0xFFFFC000  }
0x92: {  	_ =	swait.ge [sflag:s13], $0x4000  }
0x93: {  	[sflag:s13] =	ssyncset.done $0x0  }
0x94: {  	[sflag:s13] =	ssyncadd.s32 $0xFFFFC000  }
0x95: {  	[hbm4b:s19+s2] =	stream.linear.scatter [tilespmem:s7], [sflag:$0x2], $0x10000, $0x38;
	[tilespmem:$0x10800] =	vst v63  }
0x96: {  	_ =	swait.ge [sflag:s3], $0x10000  }
0x97: {  	[sflag:s3] =	ssyncset.done $0x0  }
0x98: {  	[sflag:s3] =	ssyncadd.s32 $0xFFFF0000  }
0x99: {  	[tilespmem:s7], [sflag:$0x1] =	stream.indirect.gather [hbm4b:s5+s6], $0x80, s20, s6, $0xb8;
	[tilespmem:$0x10800] =	vst v63  }
0x9a: {  	_ = 	snop  }
0x9b: {  	[tilespmem:s8], [sflag:$0x1] =	stream.indirect.gather [hbm4b:s5+s6], $0x80, s21, s6, $0xb8;
	[tilespmem:$0x10800] =	vst v63  }
0x9c: {  	_ = 	snop  }
0x9d: {  	[tilespmem:s10], [sflag:$0x1] =	stream.indirect.gather [hbm4b:s5+s6], $0x80, s22, s6, $0xb8;
	[tilespmem:$0x10800] =	vst v63  }
0x9e: {  	_ = 	snop  }
0x9f: {  	[tilespmem:s12], [sflag:$0x1] =	stream.indirect.gather [hbm4b:s5+s6], $0x80, s23, s6, $0xb8;
	[tilespmem:$0x10800] =	vst v63  }
0xa0: {  	_ =	swait.ge [sflag:s13], $0x4000  }
0xa1: {  	[sflag:s13] =	ssyncset.done $0x0  }
0xa2: {  	[sflag:s13] =	ssyncadd.s32 $0xFFFFC000  }
0xa3: {  	_ =	swait.ge [sflag:s13], $0x4000  }
0xa4: {  	[sflag:s13] =	ssyncset.done $0x0  }
0xa5: {  	[sflag:s13] =	ssyncadd.s32 $0xFFFFC000  }
0xa6: {  	_ =	swait.ge [sflag:s13], $0x4000  }
0xa7: {  	[sflag:s13] =	ssyncset.done $0x0  }
0xa8: {  	[sflag:s13] =	ssyncadd.s32 $0xFFFFC000  }
0xa9: {  	_ =	swait.ge [sflag:s13], $0x4000  }
0xaa: {  	[sflag:s13] =	ssyncset.done $0x0  }
0xab: {  	[sflag:s13] =	ssyncadd.s32 $0xFFFFC000  }
0xac: {  	[hbm4b:s24+s2] =	stream.linear.scatter [tilespmem:s7], [sflag:$0x2], $0x10000, $0x38;
	[tilespmem:$0x10800] =	vst v63  }
0xad: {  	_ =	swait.ge [sflag:s3], $0x10000  }
0xae: {  	[sflag:s3] =	ssyncset.done $0x0  }
0xaf: {  	[sflag:s3] =	ssyncadd.s32 $0xFFFF0000  }
0xb0: {  	[tilespmem:s7], [sflag:$0x1] =	stream.indirect.gather [hbm4b:s5+s6], $0x80, s25, s6, $0xb8;
	[tilespmem:$0x10800] =	vst v63  }
0xb1: {  	_ = 	snop  }
0xb2: {  	[tilespmem:s8], [sflag:$0x1] =	stream.indirect.gather [hbm4b:s5+s6], $0x80, s26, s6, $0xb8;
	[tilespmem:$0x10800] =	vst v63  }
0xb3: {  	_ = 	snop  }
0xb4: {  	[tilespmem:s10], [sflag:$0x1] =	stream.indirect.gather [hbm4b:s5+s6], $0x80, s28, s6, $0xb8;
	[tilespmem:$0x10800] =	vst v63  }
0xb5: {  	_ = 	snop  }
0xb6: {  	[tilespmem:s12], [sflag:$0x1] =	stream.indirect.gather [hbm4b:s5+s6], $0x80, s29, s6, $0xb8;
	[tilespmem:$0x10800] =	vst v63  }
0xb7: {  	_ =	swait.ge [sflag:s13], $0x4000  }
0xb8: {  	[sflag:s13] =	ssyncset.done $0x0  }
0xb9: {  	[sflag:s13] =	ssyncadd.s32 $0xFFFFC000  }
0xba: {  	_ =	swait.ge [sflag:s13], $0x4000  }
0xbb: {  	[sflag:s13] =	ssyncset.done $0x0  }
0xbc: {  	[sflag:s13] =	ssyncadd.s32 $0xFFFFC000  }
0xbd: {  	_ =	swait.ge [sflag:s13], $0x4000  }
0xbe: {  	[sflag:s13] =	ssyncset.done $0x0  }
0xbf: {  	[sflag:s13] =	ssyncadd.s32 $0xFFFFC000  }
0xc0: {  	_ =	swait.ge [sflag:s13], $0x4000  }
.Ltmp1:
0xc1: {  	[sflag:s13] =	ssyncset.done $0x0;
	(pc) =	sbr.rel @p0 .LBB2_1-.Ltmp1, $4  }
0xc2: {  	[sflag:s13] =	ssyncadd.s32 $0xFFFFC000  }
0xc3: {  	[hbm4b:s30+s2] =	stream.linear.scatter [tilespmem:s7], [sflag:$0x2], $0x10000, $0x38;
	[tilespmem:$0x10800] =	vst v63  }
0xc4: {  	_ =	swait.ge [sflag:s3], $0x10000  }
0xc5: {  	[sflag:s3] =	ssyncset.done $0x0  }
.LBB2_2:
0xc6: {  	[sflag:s3] =	ssyncadd.s32 $0xFFFF0000  }
0xc7: {  	_ =	sfence.sel $0x180000  }
0xc8: {  	[bflag:$0x0] =	sbarrier.arrive $0xFFFF  }
0xc9: {  	_ =	strace $0x90000047  }
0xca: {  	[bflag:$0x2] =	sbarrier.arrive $0xFFFF  }
0xcb: {  	p0 =	sne.s32 s0, $0x0;
	s0 =	rddreg [dreg:$0x1]  }
0xcc: {  	s0 =	sadd.s32 @!p0 $0x100000, s0  }
0xcd: {  	[sflag:s0] =	ssyncadd.tile.s32 @!p0 $0x1;
	_ =	shalt  }
.Lfunc_end2:
_tile_overlayer_lowered:
.L_overlay_start_2:
0xce: {  	(tag) =	ssettag $0x2  }
0xcf: {  	s0 =	rddreg [dreg:$0x0];
	s2 =	stileid.u32  }
0xd0: {  	s1 =	rddreg [dreg:$0x1];
	p0 =	sne.s32 s2, $0x0  }
0xd1: {  	s3 =	rddreg [dreg:$0x2];
	[bflag:$0x3] =	sbarrier.arrive $0xFFFF;
	s2 =	simm.s32 @!p0 $0x1C02  }
0xd2: {  	[timem:s3], [sflag:s2] =	dma.local @!p0 [hbm:s0], s1  }
0xd3: {  	s0 =	simm.s32 @!p0 $0x2  }
0xd4: {  	_ =	swait.ge @!p0 [sflag:s0], s1  }
0xd5: {  	s1 =	ssub.s32 @!p0 $0x0, s1;
	[sflag:s0] =	ssyncset.done @!p0 $0x0  }
0xd6: {  	[sflag:s0] =	ssyncadd.s32 @!p0 s1  }
0xd7: {  	[bflag:$0x3] =	sbarrier.arrive $0xFFFF  }
0xd8: {  	_ =	shalt  }

</sc_bundles>
